<compile_context>
chip_gen: v7x
topology: tpu7x:2x2x1
jax: 0.10.2.dev20260603
libtpu: 0.0.44.dev20260713+nightly
codegen_flags: <defaults>
</compile_context>

<pallas_src>
import functools

import jax
import jax.numpy as jnp
from jax import lax
from jax.experimental import pallas as pl
from jax.experimental.pallas import tpu as pltpu
from jax.experimental.pallas import tpu_sc as plsc

NC = 2
NS = 16
CHUNK = 128


def _sc_segsum_rows(npad, d, ch, stripe):
  mesh = plsc.VectorSubcoreMesh(core_axis_name="c", subcore_axis_name="s")

  @functools.partial(
      pl.kernel,
      out_type=jax.ShapeDtypeStruct((NC, npad, d), jnp.float32),
      mesh=mesh,
      scratch_types=[
          pltpu.VMEM((ch, CHUNK), jnp.int32),
          pltpu.VMEM((ch, CHUNK), jnp.int32),
          pltpu.VMEM((CHUNK, d), jnp.float32),
          pltpu.SemaphoreType.DMA,
          pltpu.VMEM_SHARED((npad, d), jnp.float32),
      ],
  )
  def k(table, srcw, dstw, zeros, out, idx_s, idx_d, rows, sem, acc):
    c = lax.axis_index("c")
    s = lax.axis_index("s")
    pltpu.sync_copy(srcw.at[c, s], idx_s)
    pltpu.sync_copy(dstw.at[c, s], idx_d)
    pltpu.sync_copy(zeros.at[pl.ds(s * stripe, stripe)],
                    acc.at[pl.ds(s * stripe, stripe)])
    plsc.subcore_barrier()

    def body(j, carry):
      pltpu.async_copy(table.at[idx_s.at[j]], rows, sem).wait()
      pltpu.sync_copy(rows, acc.at[idx_d.at[j]], add=True)
      return carry

    lax.fori_loop(0, ch, body, 0)
    plsc.subcore_barrier()
    pltpu.sync_copy(acc.at[pl.ds(s * stripe, stripe)],
                    out.at[c, pl.ds(s * stripe, stripe)])

  return k


def _sc_degree(npad, d, ch, stripe):
  mesh = plsc.VectorSubcoreMesh(core_axis_name="c", subcore_axis_name="s")

  @functools.partial(
      pl.kernel,
      out_type=jax.ShapeDtypeStruct((NC, npad, d), jnp.float32),
      mesh=mesh,
      scratch_types=[
          pltpu.VMEM((ch, CHUNK), jnp.int32),
          pltpu.VMEM((CHUNK, d), jnp.float32),
          pltpu.VMEM_SHARED((npad, d), jnp.float32),
      ],
  )
  def k(dstw, zeros, ones, out, idx_d, ones_v, acc):
    c = lax.axis_index("c")
    s = lax.axis_index("s")
    pltpu.sync_copy(dstw.at[c, s, pl.ds(0, ch)], idx_d)
    pltpu.sync_copy(ones, ones_v)
    pltpu.sync_copy(zeros.at[pl.ds(s * stripe, stripe)],
                    acc.at[pl.ds(s * stripe, stripe)])
    plsc.subcore_barrier()

    def body(j, carry):
      pltpu.sync_copy(ones_v, acc.at[idx_d.at[j]], add=True)
      return carry

    lax.fori_loop(0, ch, body, 0)
    plsc.subcore_barrier()
    pltpu.sync_copy(acc.at[pl.ds(s * stripe, stripe)],
                    out.at[c, pl.ds(s * stripe, stripe)])

  return k


def _dis_from_degp(degp, n):
  d = degp[0, :, 0:1] + degp[1, :, 0:1] + 1.0
  return lax.rsqrt(d)[:n]


def _tc_layer1(n, npad, d):
  def body(degp_ref, emb_ref, w1_ref, h_ref, g_ref):
    dis = _dis_from_degp(degp_ref[...], n)
    h = jnp.dot(emb_ref[...], w1_ref[...], preferred_element_type=jnp.float32)
    h_ref[...] = h
    g_ref[...] = h * dis

  return pl.pallas_call(
      body,
      out_shape=(jax.ShapeDtypeStruct((n, d), jnp.float32),
                 jax.ShapeDtypeStruct((n, d), jnp.float32)),
  )


def _tc_layer2(n, npad, d):
  def body(s1p_ref, h1_ref, degp_ref, b1_ref, w2_ref, h2_ref, g2_ref):
    dis = _dis_from_degp(degp_ref[...], n)
    s1 = s1p_ref[0, :n, :] + s1p_ref[1, :n, :]
    h1 = h1_ref[...]
    x = jnp.maximum(dis * s1 + h1 * (dis * dis) + b1_ref[...], 0.0)
    h2 = jnp.dot(x, w2_ref[...], preferred_element_type=jnp.float32)
    h2_ref[...] = h2
    g2_ref[...] = h2 * dis

  return pl.pallas_call(
      body,
      out_shape=(jax.ShapeDtypeStruct((n, d), jnp.float32),
                 jax.ShapeDtypeStruct((n, d), jnp.float32)),
  )


def _tc_finish(n, npad, d):
  def body(s2p_ref, h2_ref, degp_ref, b2_ref, out_ref):
    dis = _dis_from_degp(degp_ref[...], n)
    s2 = s2p_ref[0, :n, :] + s2p_ref[1, :n, :]
    o = dis * s2 + h2_ref[...] * (dis * dis) + b2_ref[...]
    row = lax.broadcasted_iota(jnp.int32, (n, 1), 0)
    out_ref[...] = jnp.where(row == 0, 0.0, o)

  return pl.pallas_call(
      body,
      out_shape=jax.ShapeDtypeStruct((n, d), jnp.float32),
  )


def kernel(edge_index, emb, W1, b1, W2, b2):
  n, d = emb.shape
  e = edge_index.shape[1]
  nw = NC * NS
  ch = -(-e // (nw * CHUNK))
  npad = -(-(n + 1) // 128) * 128
  stripe = npad // NS

  src = edge_index[0]
  dst = edge_index[1]
  pad = nw * ch * CHUNK - e
  pad_dst = n + jnp.arange(pad, dtype=jnp.int32) % (npad - n)
  srcw = jnp.concatenate([src, jnp.zeros((pad,), jnp.int32)]).reshape(
      NC, NS, ch, CHUNK)
  dstw = jnp.concatenate([dst, pad_dst]).reshape(NC, NS, ch, CHUNK)

  zeros_nd = jnp.zeros((npad, d), jnp.float32)

  degp = _sc_degree(npad, d, ch, stripe)(
      dstw, zeros_nd, jnp.ones((CHUNK, d), jnp.float32))

  h1, g1 = _tc_layer1(n, npad, d)(degp, emb, W1)
  segsum = _sc_segsum_rows(npad, d, ch, stripe)
  s1p = segsum(g1, srcw, dstw, zeros_nd)

  h2, g2 = _tc_layer2(n, npad, d)(
      s1p, h1, degp, b1.reshape(1, d), W2)
  s2p = segsum(g2, srcw, dstw, zeros_nd)

  return _tc_finish(n, npad, d)(s2p, h2, degp, b2.reshape(1, d))

# --- scband reference (transcript-rebuilt; emitter-appended) ---
"""Pipeline reference for scband-gcn-2353642078895 (READ-ONLY COPY).

The authoritative reference and input builder live on the scoring server;
editing this copy changes nothing except your own understanding.
"""

import jax, jax.numpy as jnp
import numpy as np

N = 10000
E = 320000
D_IN = 128
D_H = 128


def setup_inputs(seed: int = 0) -> dict:
    key = jax.random.key(seed)
    k1, k2, k3, k4, k5, k6 = jax.random.split(key, 6)
    edge_index = jax.random.randint(k1, (2, E), 0, N, dtype=jnp.int32)
    emb = jax.random.normal(k2, (N, D_IN), dtype=jnp.float32)
    W1 = jax.random.normal(k3, (D_IN, D_H), dtype=jnp.float32) * (1.0 / np.sqrt(D_IN))
    b1 = jnp.zeros((D_H,), dtype=jnp.float32)
    W2 = jax.random.normal(k4, (D_H, D_H), dtype=jnp.float32) * (1.0 / np.sqrt(D_H))
    b2 = jnp.zeros((D_H,), dtype=jnp.float32)
    return {"edge_index": edge_index, "emb": emb, "W1": W1, "b1": b1, "W2": W2, "b2": b2}


def _gcn_conv(x, src, dst, W, b, deg_inv_sqrt):
    # GCNConv with symmetric normalization and self-loops:
    # out = D^{-1/2} (A + I) D^{-1/2} (x @ W) + b
    h = x @ W
    norm = deg_inv_sqrt[src] * deg_inv_sqrt[dst]
    msgs = h[src] * norm[:, None]
    agg = jax.ops.segment_sum(msgs, dst, num_segments=N)
    # self-loop contribution: deg_inv_sqrt[i]^2 * h[i]
    agg = agg + h * (deg_inv_sqrt * deg_inv_sqrt)[:, None]
    return agg + b


def reference(edge_index, emb, W1, b1, W2, b2):
    src = edge_index[0]
    dst = edge_index[1]
    # degree of A_hat = A + I, computed on dst
    deg = jax.ops.segment_sum(jnp.ones((E,), dtype=jnp.float32), dst, num_segments=N) + 1.0
    deg_inv_sqrt = jax.lax.rsqrt(deg)
    # layer 1 (all but last): conv -> relu -> dropout(eval mode = identity)
    x = _gcn_conv(emb, src, dst, W1, b1, deg_inv_sqrt)
    x = jax.nn.relu(x)
    # last layer
    x = _gcn_conv(x, src, dst, W2, b2, deg_inv_sqrt)
    # x[0] = zeros(x.shape[1])
    x = x.at[0].set(jnp.zeros((x.shape[1],), dtype=x.dtype))
    return x

if __name__ == "__main__":
    import jax
    _d = setup_inputs()
    print(jax.jit(kernel)(*tuple(_d.values())))

</pallas_src>

<mosaic_0001>
#map = affine_map<(d0, d1) -> (0, 0, 0, 0)>
#map1 = affine_map<(d0, d1) -> (0, 0)>
#map2 = affine_map<(d0, d1) -> (0, 0, 0)>
module attributes {stable_mosaic.version = 14 : i64} {
  func.func @k(%arg0: i32, %arg1: i32, %arg2: memref<2x16x79x128xi32, #tpu.memory_space<hbm>>, %arg3: memref<10112x128xf32, #tpu.memory_space<hbm>>, %arg4: memref<128x128xf32, #tpu.memory_space<hbm>>, %arg5: memref<2x10112x128xf32, #tpu.memory_space<hbm>>, %arg6: memref<79x128xi32, #tpu.memory_space<vmem>>, %arg7: memref<128x128xf32, #tpu.memory_space<vmem>>, %arg8: memref<10112x128xf32, #tpu.memory_space<vmem_shared>>) attributes {dimension_semantics = [#tpu.dimension_semantics<core_parallel>, #tpu.dimension_semantics<subcore_parallel>], iteration_bounds = array<i64: 2, 16>, scalar_prefetch = 0 : i64, scratch_operands = 3 : i64, tpu.core_type = #tpu.core_type<sc_vector_subcore>, window_params = [{transform_indices = #map}, {transform_indices = #map1}, {transform_indices = #map1}, {transform_indices = #map2}]} {
    "tpu.region"() ({
      %run_scoped3A = tpu.sem_alloc : memref<!tpu.dma_semaphore, #tpu.memory_space<semaphore_mem>>
      %dma_start3A = arith.constant 0 : i32
      %dma_start3A_13 = arith.constant 0 : i32
      %dma_start3A_14 = tpu.memref_slice %arg2[%arg0, %arg1, %dma_start3A, %dma_start3A_13] : memref<2x16x79x128xi32, #tpu.memory_space<hbm>> -> memref<1x1x79x128xi32, #tpu.memory_space<hbm>>
      %dma_start3A_15 = tpu.memref_squeeze %dma_start3A_14 : memref<1x1x79x128xi32, #tpu.memory_space<hbm>> -> memref<79x128xi32, #tpu.memory_space<hbm>>
      %dma_start3A_16 = arith.constant 0 : i32
      %dma_start3A_17 = arith.constant 0 : i32
      %dma_start3A_18 = tpu.memref_slice %arg2[%arg0, %arg1, %dma_start3A_16, %dma_start3A_17] : memref<2x16x79x128xi32, #tpu.memory_space<hbm>> -> memref<1x1x79x128xi32, #tpu.memory_space<hbm>>
      %dma_start3A_19 = tpu.memref_squeeze %dma_start3A_18 : memref<1x1x79x128xi32, #tpu.memory_space<hbm>> -> memref<79x128xi32, #tpu.memory_space<hbm>>
      tpu.enqueue_dma source(%dma_start3A_19 : memref<79x128xi32, #tpu.memory_space<hbm>>) target(%arg6 : memref<79x128xi32, #tpu.memory_space<vmem>>) target_semaphore(%run_scoped3A : memref<!tpu.dma_semaphore, #tpu.memory_space<semaphore_mem>>)
      %dma_wait3A = arith.constant 0 : i32
      %dma_wait3A_20 = arith.constant 0 : i32
      %dma_wait3A_21 = tpu.memref_slice %arg2[%arg0, %arg1, %dma_wait3A, %dma_wait3A_20] : memref<2x16x79x128xi32, #tpu.memory_space<hbm>> -> memref<1x1x79x128xi32, #tpu.memory_space<hbm>>
      %dma_wait3A_22 = tpu.memref_squeeze %dma_wait3A_21 : memref<1x1x79x128xi32, #tpu.memory_space<hbm>> -> memref<79x128xi32, #tpu.memory_space<hbm>>
      %dma_wait3A_23 = arith.constant 0 : i32
      %dma_wait3A_24 = arith.constant 0 : i32
      %dma_wait3A_25 = tpu.memref_slice %arg2[%arg0, %arg1, %dma_wait3A_23, %dma_wait3A_24] : memref<2x16x79x128xi32, #tpu.memory_space<hbm>> -> memref<1x1x79x128xi32, #tpu.memory_space<hbm>>
      %dma_wait3A_26 = tpu.memref_squeeze %dma_wait3A_25 : memref<1x1x79x128xi32, #tpu.memory_space<hbm>> -> memref<79x128xi32, #tpu.memory_space<hbm>>
      tpu.wait_dma2 semaphore(%run_scoped3A : memref<!tpu.dma_semaphore, #tpu.memory_space<semaphore_mem>>) src(%dma_wait3A_26 : memref<79x128xi32, #tpu.memory_space<hbm>>) dst(%arg6 : memref<79x128xi32, #tpu.memory_space<vmem>>)
      tpu.yield
    }) : () -> ()
    "tpu.region"() ({
      %run_scoped3A = tpu.sem_alloc : memref<!tpu.dma_semaphore, #tpu.memory_space<semaphore_mem>>
      tpu.enqueue_dma source(%arg4 : memref<128x128xf32, #tpu.memory_space<hbm>>) target(%arg7 : memref<128x128xf32, #tpu.memory_space<vmem>>) target_semaphore(%run_scoped3A : memref<!tpu.dma_semaphore, #tpu.memory_space<semaphore_mem>>)
      tpu.wait_dma2 semaphore(%run_scoped3A : memref<!tpu.dma_semaphore, #tpu.memory_space<semaphore_mem>>) src(%arg4 : memref<128x128xf32, #tpu.memory_space<hbm>>) dst(%arg7 : memref<128x128xf32, #tpu.memory_space<vmem>>)
      tpu.yield
    }) : () -> ()
    %mul3A = arith.constant 632 : i32
    %mul3A_0 = arith.muli %arg1, %mul3A : i32
    %mul3A_1 = arith.constant 632 : i32
    %mul3A_2 = arith.muli %arg1, %mul3A_1 : i32
    "tpu.region"() ({
      %run_scoped3A = tpu.sem_alloc : memref<!tpu.dma_semaphore, #tpu.memory_space<semaphore_mem>>
      %dma_start3A = arith.constant 0 : i32
      %dma_start3A_13 = tpu.memref_slice %arg8[%mul3A_2, %dma_start3A] : memref<10112x128xf32, #tpu.memory_space<vmem_shared>> -> memref<632x128xf32, #tpu.memory_space<vmem_shared>>
      %dma_start3A_14 = arith.constant 0 : i32
      %dma_start3A_15 = tpu.memref_slice %arg3[%mul3A_0, %dma_start3A_14] : memref<10112x128xf32, #tpu.memory_space<hbm>> -> memref<632x128xf32, #tpu.memory_space<hbm>>
      tpu.enqueue_dma source(%dma_start3A_15 : memref<632x128xf32, #tpu.memory_space<hbm>>) target(%dma_start3A_13 : memref<632x128xf32, #tpu.memory_space<vmem_shared>>) target_semaphore(%run_scoped3A : memref<!tpu.dma_semaphore, #tpu.memory_space<semaphore_mem>>)
      %dma_wait3A = arith.constant 0 : i32
      %dma_wait3A_16 = tpu.memref_slice %arg8[%mul3A_2, %dma_wait3A] : memref<10112x128xf32, #tpu.memory_space<vmem_shared>> -> memref<632x128xf32, #tpu.memory_space<vmem_shared>>
      %dma_wait3A_17 = arith.constant 0 : i32
      %dma_wait3A_18 = tpu.memref_slice %arg3[%mul3A_0, %dma_wait3A_17] : memref<10112x128xf32, #tpu.memory_space<hbm>> -> memref<632x128xf32, #tpu.memory_space<hbm>>
      tpu.wait_dma2 semaphore(%run_scoped3A : memref<!tpu.dma_semaphore, #tpu.memory_space<semaphore_mem>>) src(%dma_wait3A_18 : memref<632x128xf32, #tpu.memory_space<hbm>>) dst(%dma_wait3A_16 : memref<632x128xf32, #tpu.memory_space<vmem_shared>>)
      tpu.yield
    }) : () -> ()
    %barrier3A = arith.constant 0 : index
    tpu.barrier barrier_id(%barrier3A)
    %scan3A = arith.constant 0 : i32
    %scan3A_3 = arith.constant 0 : i32
    %scan3A_4 = arith.constant 79 : i32
    %scan3A_5 = arith.addi %scan3A_3, %scan3A_4 : i32
    %scan3A_6 = arith.constant 1 : i32
    scf.for %scan3A_13 = %scan3A_3 to %scan3A_5 step %scan3A_6  : i32 {
      "tpu.region"() ({
        %run_scoped3A = tpu.sem_alloc : memref<!tpu.dma_semaphore, #tpu.memory_space<semaphore_mem>>
        %dma_start3A = arith.constant 0 : i32
        %dma_start3A_14 = tpu.memref_slice %arg6[%scan3A_13, %dma_start3A] : memref<79x128xi32, #tpu.memory_space<vmem>> -> memref<1x128xi32, #tpu.memory_space<vmem>>
        %dma_start3A_15 = tpu.memref_squeeze %dma_start3A_14 : memref<1x128xi32, #tpu.memory_space<vmem>> -> memref<128xi32, #tpu.memory_space<vmem>>
        %dma_start3A_16 = arith.constant 0 : i32
        %dma_start3A_17 = arith.constant 0 : i32
        %dma_start3A_18 = tpu.memref_slice %arg8[%dma_start3A_16, %dma_start3A_17] : memref<10112x128xf32, #tpu.memory_space<vmem_shared>> -> memref<10112x128xf32, #tpu.memory_space<vmem_shared>>
        tpu.enqueue_indirect_dma source(%arg7 : memref<128x128xf32, #tpu.memory_space<vmem>>) target(%dma_start3A_18 : memref<10112x128xf32, #tpu.memory_space<vmem_shared>>) offsets(%dma_start3A_15 : memref<128xi32, #tpu.memory_space<vmem>>) semaphore(%run_scoped3A : memref<!tpu.dma_semaphore, #tpu.memory_space<semaphore_mem>>) {add = true}
        %dma_wait3A = arith.constant 0 : i32
        %dma_wait3A_19 = tpu.memref_slice %arg6[%scan3A_13, %dma_wait3A] : memref<79x128xi32, #tpu.memory_space<vmem>> -> memref<1x128xi32, #tpu.memory_space<vmem>>
        %dma_wait3A_20 = tpu.memref_squeeze %dma_wait3A_19 : memref<1x128xi32, #tpu.memory_space<vmem>> -> memref<128xi32, #tpu.memory_space<vmem>>
        %dma_wait3A_21 = arith.constant 0 : i32
        %dma_wait3A_22 = arith.constant 0 : i32
        %dma_wait3A_23 = tpu.memref_slice %arg8[%dma_wait3A_21, %dma_wait3A_22] : memref<10112x128xf32, #tpu.memory_space<vmem_shared>> -> memref<10112x128xf32, #tpu.memory_space<vmem_shared>>
        tpu.wait_indirect_dma semaphore(%run_scoped3A : memref<!tpu.dma_semaphore, #tpu.memory_space<semaphore_mem>>) src(%arg7 : memref<128x128xf32, #tpu.memory_space<vmem>>) dst(%dma_wait3A_23 : memref<10112x128xf32, #tpu.memory_space<vmem_shared>>)
        tpu.yield
      }) : () -> ()
    }
    %scan3A_7 = arith.constant 79 : i32
    %barrier3A_8 = arith.constant 0 : index
    tpu.barrier barrier_id(%barrier3A_8)
    %mul3A_9 = arith.constant 632 : i32
    %mul3A_10 = arith.muli %arg1, %mul3A_9 : i32
    %mul3A_11 = arith.constant 632 : i32
    %mul3A_12 = arith.muli %arg1, %mul3A_11 : i32
    "tpu.region"() ({
      %run_scoped3A = tpu.sem_alloc : memref<!tpu.dma_semaphore, #tpu.memory_space<semaphore_mem>>
      %dma_start3A = arith.constant 0 : i32
      %dma_start3A_13 = tpu.memref_slice %arg5[%arg0, %mul3A_12, %dma_start3A] : memref<2x10112x128xf32, #tpu.memory_space<hbm>> -> memref<1x632x128xf32, #tpu.memory_space<hbm>>
      %dma_start3A_14 = tpu.memref_squeeze %dma_start3A_13 : memref<1x632x128xf32, #tpu.memory_space<hbm>> -> memref<632x128xf32, #tpu.memory_space<hbm>>
      %dma_start3A_15 = arith.constant 0 : i32
      %dma_start3A_16 = tpu.memref_slice %arg8[%mul3A_10, %dma_start3A_15] : memref<10112x128xf32, #tpu.memory_space<vmem_shared>> -> memref<632x128xf32, #tpu.memory_space<vmem_shared>>
      tpu.enqueue_dma source(%dma_start3A_16 : memref<632x128xf32, #tpu.memory_space<vmem_shared>>) target(%dma_start3A_14 : memref<632x128xf32, #tpu.memory_space<hbm>>) target_semaphore(%run_scoped3A : memref<!tpu.dma_semaphore, #tpu.memory_space<semaphore_mem>>)
      %dma_wait3A = arith.constant 0 : i32
      %dma_wait3A_17 = tpu.memref_slice %arg5[%arg0, %mul3A_12, %dma_wait3A] : memref<2x10112x128xf32, #tpu.memory_space<hbm>> -> memref<1x632x128xf32, #tpu.memory_space<hbm>>
      %dma_wait3A_18 = tpu.memref_squeeze %dma_wait3A_17 : memref<1x632x128xf32, #tpu.memory_space<hbm>> -> memref<632x128xf32, #tpu.memory_space<hbm>>
      %dma_wait3A_19 = arith.constant 0 : i32
      %dma_wait3A_20 = tpu.memref_slice %arg8[%mul3A_10, %dma_wait3A_19] : memref<10112x128xf32, #tpu.memory_space<vmem_shared>> -> memref<632x128xf32, #tpu.memory_space<vmem_shared>>
      tpu.wait_dma2 semaphore(%run_scoped3A : memref<!tpu.dma_semaphore, #tpu.memory_space<semaphore_mem>>) src(%dma_wait3A_20 : memref<632x128xf32, #tpu.memory_space<vmem_shared>>) dst(%dma_wait3A_18 : memref<632x128xf32, #tpu.memory_space<hbm>>)
      tpu.yield
    }) : () -> ()
    return
  }
}

#map = affine_map<(d0, d1) -> (0, 0)>
#map1 = affine_map<(d0, d1) -> (0, 0, 0, 0)>
#map2 = affine_map<(d0, d1) -> (0, 0, 0)>
module attributes {stable_mosaic.version = 14 : i64} {
  func.func @k(%arg0: i32, %arg1: i32, %arg2: memref<10000x128xf32, #tpu.memory_space<hbm>>, %arg3: memref<2x16x79x128xi32, #tpu.memory_space<hbm>>, %arg4: memref<2x16x79x128xi32, #tpu.memory_space<hbm>>, %arg5: memref<10112x128xf32, #tpu.memory_space<hbm>>, %arg6: memref<2x10112x128xf32, #tpu.memory_space<hbm>>, %arg7: memref<79x128xi32, #tpu.memory_space<vmem>>, %arg8: memref<79x128xi32, #tpu.memory_space<vmem>>, %arg9: memref<128x128xf32, #tpu.memory_space<vmem>>, %arg10: memref<!tpu.dma_semaphore, #tpu.memory_space<semaphore_mem>>, %arg11: memref<10112x128xf32, #tpu.memory_space<vmem_shared>>) attributes {dimension_semantics = [#tpu.dimension_semantics<core_parallel>, #tpu.dimension_semantics<subcore_parallel>], iteration_bounds = array<i64: 2, 16>, scalar_prefetch = 0 : i64, scratch_operands = 5 : i64, tpu.core_type = #tpu.core_type<sc_vector_subcore>, window_params = [{transform_indices = #map}, {transform_indices = #map1}, {transform_indices = #map1}, {transform_indices = #map}, {transform_indices = #map2}]} {
    "tpu.region"() ({
      %run_scoped3A = tpu.sem_alloc : memref<!tpu.dma_semaphore, #tpu.memory_space<semaphore_mem>>
      %dma_start3A = arith.constant 0 : i32
      %dma_start3A_13 = arith.constant 0 : i32
      %dma_start3A_14 = tpu.memref_slice %arg3[%arg0, %arg1, %dma_start3A, %dma_start3A_13] : memref<2x16x79x128xi32, #tpu.memory_space<hbm>> -> memref<1x1x79x128xi32, #tpu.memory_space<hbm>>
      %dma_start3A_15 = tpu.memref_squeeze %dma_start3A_14 : memref<1x1x79x128xi32, #tpu.memory_space<hbm>> -> memref<79x128xi32, #tpu.memory_space<hbm>>
      %dma_start3A_16 = arith.constant 0 : i32
      %dma_start3A_17 = arith.constant 0 : i32
      %dma_start3A_18 = tpu.memref_slice %arg3[%arg0, %arg1, %dma_start3A_16, %dma_start3A_17] : memref<2x16x79x128xi32, #tpu.memory_space<hbm>> -> memref<1x1x79x128xi32, #tpu.memory_space<hbm>>
      %dma_start3A_19 = tpu.memref_squeeze %dma_start3A_18 : memref<1x1x79x128xi32, #tpu.memory_space<hbm>> -> memref<79x128xi32, #tpu.memory_space<hbm>>
      tpu.enqueue_dma source(%dma_start3A_19 : memref<79x128xi32, #tpu.memory_space<hbm>>) target(%arg7 : memref<79x128xi32, #tpu.memory_space<vmem>>) target_semaphore(%run_scoped3A : memref<!tpu.dma_semaphore, #tpu.memory_space<semaphore_mem>>)
      %dma_wait3A = arith.constant 0 : i32
      %dma_wait3A_20 = arith.constant 0 : i32
      %dma_wait3A_21 = tpu.memref_slice %arg3[%arg0, %arg1, %dma_wait3A, %dma_wait3A_20] : memref<2x16x79x128xi32, #tpu.memory_space<hbm>> -> memref<1x1x79x128xi32, #tpu.memory_space<hbm>>
      %dma_wait3A_22 = tpu.memref_squeeze %dma_wait3A_21 : memref<1x1x79x128xi32, #tpu.memory_space<hbm>> -> memref<79x128xi32, #tpu.memory_space<hbm>>
      %dma_wait3A_23 = arith.constant 0 : i32
      %dma_wait3A_24 = arith.constant 0 : i32
      %dma_wait3A_25 = tpu.memref_slice %arg3[%arg0, %arg1, %dma_wait3A_23, %dma_wait3A_24] : memref<2x16x79x128xi32, #tpu.memory_space<hbm>> -> memref<1x1x79x128xi32, #tpu.memory_space<hbm>>
      %dma_wait3A_26 = tpu.memref_squeeze %dma_wait3A_25 : memref<1x1x79x128xi32, #tpu.memory_space<hbm>> -> memref<79x128xi32, #tpu.memory_space<hbm>>
      tpu.wait_dma2 semaphore(%run_scoped3A : memref<!tpu.dma_semaphore, #tpu.memory_space<semaphore_mem>>) src(%dma_wait3A_26 : memref<79x128xi32, #tpu.memory_space<hbm>>) dst(%arg7 : memref<79x128xi32, #tpu.memory_space<vmem>>)
      tpu.yield
    }) : () -> ()
    "tpu.region"() ({
      %run_scoped3A = tpu.sem_alloc : memref<!tpu.dma_semaphore, #tpu.memory_space<semaphore_mem>>
      %dma_start3A = arith.constant 0 : i32
      %dma_start3A_13 = arith.constant 0 : i32
      %dma_start3A_14 = tpu.memref_slice %arg4[%arg0, %arg1, %dma_start3A, %dma_start3A_13] : memref<2x16x79x128xi32, #tpu.memory_space<hbm>> -> memref<1x1x79x128xi32, #tpu.memory_space<hbm>>
      %dma_start3A_15 = tpu.memref_squeeze %dma_start3A_14 : memref<1x1x79x128xi32, #tpu.memory_space<hbm>> -> memref<79x128xi32, #tpu.memory_space<hbm>>
      %dma_start3A_16 = arith.constant 0 : i32
      %dma_start3A_17 = arith.constant 0 : i32
      %dma_start3A_18 = tpu.memref_slice %arg4[%arg0, %arg1, %dma_start3A_16, %dma_start3A_17] : memref<2x16x79x128xi32, #tpu.memory_space<hbm>> -> memref<1x1x79x128xi32, #tpu.memory_space<hbm>>
      %dma_start3A_19 = tpu.memref_squeeze %dma_start3A_18 : memref<1x1x79x128xi32, #tpu.memory_space<hbm>> -> memref<79x128xi32, #tpu.memory_space<hbm>>
      tpu.enqueue_dma source(%dma_start3A_19 : memref<79x128xi32, #tpu.memory_space<hbm>>) target(%arg8 : memref<79x128xi32, #tpu.memory_space<vmem>>) target_semaphore(%run_scoped3A : memref<!tpu.dma_semaphore, #tpu.memory_space<semaphore_mem>>)
      %dma_wait3A = arith.constant 0 : i32
      %dma_wait3A_20 = arith.constant 0 : i32
      %dma_wait3A_21 = tpu.memref_slice %arg4[%arg0, %arg1, %dma_wait3A, %dma_wait3A_20] : memref<2x16x79x128xi32, #tpu.memory_space<hbm>> -> memref<1x1x79x128xi32, #tpu.memory_space<hbm>>
      %dma_wait3A_22 = tpu.memref_squeeze %dma_wait3A_21 : memref<1x1x79x128xi32, #tpu.memory_space<hbm>> -> memref<79x128xi32, #tpu.memory_space<hbm>>
      %dma_wait3A_23 = arith.constant 0 : i32
      %dma_wait3A_24 = arith.constant 0 : i32
      %dma_wait3A_25 = tpu.memref_slice %arg4[%arg0, %arg1, %dma_wait3A_23, %dma_wait3A_24] : memref<2x16x79x128xi32, #tpu.memory_space<hbm>> -> memref<1x1x79x128xi32, #tpu.memory_space<hbm>>
      %dma_wait3A_26 = tpu.memref_squeeze %dma_wait3A_25 : memref<1x1x79x128xi32, #tpu.memory_space<hbm>> -> memref<79x128xi32, #tpu.memory_space<hbm>>
      tpu.wait_dma2 semaphore(%run_scoped3A : memref<!tpu.dma_semaphore, #tpu.memory_space<semaphore_mem>>) src(%dma_wait3A_26 : memref<79x128xi32, #tpu.memory_space<hbm>>) dst(%arg8 : memref<79x128xi32, #tpu.memory_space<vmem>>)
      tpu.yield
    }) : () -> ()
    %mul3A = arith.constant 632 : i32
    %mul3A_0 = arith.muli %arg1, %mul3A : i32
    %mul3A_1 = arith.constant 632 : i32
    %mul3A_2 = arith.muli %arg1, %mul3A_1 : i32
    "tpu.region"() ({
      %run_scoped3A = tpu.sem_alloc : memref<!tpu.dma_semaphore, #tpu.memory_space<semaphore_mem>>
      %dma_start3A = arith.constant 0 : i32
      %dma_start3A_13 = tpu.memref_slice %arg11[%mul3A_2, %dma_start3A] : memref<10112x128xf32, #tpu.memory_space<vmem_shared>> -> memref<632x128xf32, #tpu.memory_space<vmem_shared>>
      %dma_start3A_14 = arith.constant 0 : i32
      %dma_start3A_15 = tpu.memref_slice %arg5[%mul3A_0, %dma_start3A_14] : memref<10112x128xf32, #tpu.memory_space<hbm>> -> memref<632x128xf32, #tpu.memory_space<hbm>>
      tpu.enqueue_dma source(%dma_start3A_15 : memref<632x128xf32, #tpu.memory_space<hbm>>) target(%dma_start3A_13 : memref<632x128xf32, #tpu.memory_space<vmem_shared>>) target_semaphore(%run_scoped3A : memref<!tpu.dma_semaphore, #tpu.memory_space<semaphore_mem>>)
      %dma_wait3A = arith.constant 0 : i32
      %dma_wait3A_16 = tpu.memref_slice %arg11[%mul3A_2, %dma_wait3A] : memref<10112x128xf32, #tpu.memory_space<vmem_shared>> -> memref<632x128xf32, #tpu.memory_space<vmem_shared>>
      %dma_wait3A_17 = arith.constant 0 : i32
      %dma_wait3A_18 = tpu.memref_slice %arg5[%mul3A_0, %dma_wait3A_17] : memref<10112x128xf32, #tpu.memory_space<hbm>> -> memref<632x128xf32, #tpu.memory_space<hbm>>
      tpu.wait_dma2 semaphore(%run_scoped3A : memref<!tpu.dma_semaphore, #tpu.memory_space<semaphore_mem>>) src(%dma_wait3A_18 : memref<632x128xf32, #tpu.memory_space<hbm>>) dst(%dma_wait3A_16 : memref<632x128xf32, #tpu.memory_space<vmem_shared>>)
      tpu.yield
    }) : () -> ()
    %barrier3A = arith.constant 0 : index
    tpu.barrier barrier_id(%barrier3A)
    %scan3A = arith.constant 0 : i32
    %scan3A_3 = arith.constant 0 : i32
    %scan3A_4 = arith.constant 79 : i32
    %scan3A_5 = arith.addi %scan3A_3, %scan3A_4 : i32
    %scan3A_6 = arith.constant 1 : i32
    scf.for %scan3A_13 = %scan3A_3 to %scan3A_5 step %scan3A_6  : i32 {
      %dma_start3A = arith.constant 0 : i32
      %dma_start3A_14 = tpu.memref_slice %arg7[%scan3A_13, %dma_start3A] : memref<79x128xi32, #tpu.memory_space<vmem>> -> memref<1x128xi32, #tpu.memory_space<vmem>>
      %dma_start3A_15 = tpu.memref_squeeze %dma_start3A_14 : memref<1x128xi32, #tpu.memory_space<vmem>> -> memref<128xi32, #tpu.memory_space<vmem>>
      %dma_start3A_16 = arith.constant 0 : i32
      %dma_start3A_17 = arith.constant 0 : i32
      %dma_start3A_18 = tpu.memref_slice %arg2[%dma_start3A_16, %dma_start3A_17] : memref<10000x128xf32, #tpu.memory_space<hbm>> -> memref<10000x128xf32, #tpu.memory_space<hbm>>
      tpu.enqueue_indirect_dma source(%dma_start3A_18 : memref<10000x128xf32, #tpu.memory_space<hbm>>) target(%arg9 : memref<128x128xf32, #tpu.memory_space<vmem>>) offsets(%dma_start3A_15 : memref<128xi32, #tpu.memory_space<vmem>>) semaphore(%arg10 : memref<!tpu.dma_semaphore, #tpu.memory_space<semaphore_mem>>)
      %dma_wait3A = arith.constant 0 : i32
      %dma_wait3A_19 = tpu.memref_slice %arg7[%scan3A_13, %dma_wait3A] : memref<79x128xi32, #tpu.memory_space<vmem>> -> memref<1x128xi32, #tpu.memory_space<vmem>>
      %dma_wait3A_20 = tpu.memref_squeeze %dma_wait3A_19 : memref<1x128xi32, #tpu.memory_space<vmem>> -> memref<128xi32, #tpu.memory_space<vmem>>
      %dma_wait3A_21 = arith.constant 0 : i32
      %dma_wait3A_22 = arith.constant 0 : i32
      %dma_wait3A_23 = tpu.memref_slice %arg2[%dma_wait3A_21, %dma_wait3A_22] : memref<10000x128xf32, #tpu.memory_space<hbm>> -> memref<10000x128xf32, #tpu.memory_space<hbm>>
      tpu.wait_indirect_dma semaphore(%arg10 : memref<!tpu.dma_semaphore, #tpu.memory_space<semaphore_mem>>) src(%dma_wait3A_23 : memref<10000x128xf32, #tpu.memory_space<hbm>>) dst(%arg9 : memref<128x128xf32, #tpu.memory_space<vmem>>)
      "tpu.region"() ({
        %run_scoped3A = tpu.sem_alloc : memref<!tpu.dma_semaphore, #tpu.memory_space<semaphore_mem>>
        %dma_start3A_24 = arith.constant 0 : i32
        %dma_start3A_25 = tpu.memref_slice %arg8[%scan3A_13, %dma_start3A_24] : memref<79x128xi32, #tpu.memory_space<vmem>> -> memref<1x128xi32, #tpu.memory_space<vmem>>
        %dma_start3A_26 = tpu.memref_squeeze %dma_start3A_25 : memref<1x128xi32, #tpu.memory_space<vmem>> -> memref<128xi32, #tpu.memory_space<vmem>>
        %dma_start3A_27 = arith.constant 0 : i32
        %dma_start3A_28 = arith.constant 0 : i32
        %dma_start3A_29 = tpu.memref_slice %arg11[%dma_start3A_27, %dma_start3A_28] : memref<10112x128xf32, #tpu.memory_space<vmem_shared>> -> memref<10112x128xf32, #tpu.memory_space<vmem_shared>>
        tpu.enqueue_indirect_dma source(%arg9 : memref<128x128xf32, #tpu.memory_space<vmem>>) target(%dma_start3A_29 : memref<10112x128xf32, #tpu.memory_space<vmem_shared>>) offsets(%dma_start3A_26 : memref<128xi32, #tpu.memory_space<vmem>>) semaphore(%run_scoped3A : memref<!tpu.dma_semaphore, #tpu.memory_space<semaphore_mem>>) {add = true}
        %dma_wait3A_30 = arith.constant 0 : i32
        %dma_wait3A_31 = tpu.memref_slice %arg8[%scan3A_13, %dma_wait3A_30] : memref<79x128xi32, #tpu.memory_space<vmem>> -> memref<1x128xi32, #tpu.memory_space<vmem>>
        %dma_wait3A_32 = tpu.memref_squeeze %dma_wait3A_31 : memref<1x128xi32, #tpu.memory_space<vmem>> -> memref<128xi32, #tpu.memory_space<vmem>>
        %dma_wait3A_33 = arith.constant 0 : i32
        %dma_wait3A_34 = arith.constant 0 : i32
        %dma_wait3A_35 = tpu.memref_slice %arg11[%dma_wait3A_33, %dma_wait3A_34] : memref<10112x128xf32, #tpu.memory_space<vmem_shared>> -> memref<10112x128xf32, #tpu.memory_space<vmem_shared>>
        tpu.wait_indirect_dma semaphore(%run_scoped3A : memref<!tpu.dma_semaphore, #tpu.memory_space<semaphore_mem>>) src(%arg9 : memref<128x128xf32, #tpu.memory_space<vmem>>) dst(%dma_wait3A_35 : memref<10112x128xf32, #tpu.memory_space<vmem_shared>>)
        tpu.yield
      }) : () -> ()
    }
    %scan3A_7 = arith.constant 79 : i32
    %barrier3A_8 = arith.constant 0 : index
    tpu.barrier barrier_id(%barrier3A_8)
    %mul3A_9 = arith.constant 632 : i32
    %mul3A_10 = arith.muli %arg1, %mul3A_9 : i32
    %mul3A_11 = arith.constant 632 : i32
    %mul3A_12 = arith.muli %arg1, %mul3A_11 : i32
    "tpu.region"() ({
      %run_scoped3A = tpu.sem_alloc : memref<!tpu.dma_semaphore, #tpu.memory_space<semaphore_mem>>
      %dma_start3A = arith.constant 0 : i32
      %dma_start3A_13 = tpu.memref_slice %arg6[%arg0, %mul3A_12, %dma_start3A] : memref<2x10112x128xf32, #tpu.memory_space<hbm>> -> memref<1x632x128xf32, #tpu.memory_space<hbm>>
      %dma_start3A_14 = tpu.memref_squeeze %dma_start3A_13 : memref<1x632x128xf32, #tpu.memory_space<hbm>> -> memref<632x128xf32, #tpu.memory_space<hbm>>
      %dma_start3A_15 = arith.constant 0 : i32
      %dma_start3A_16 = tpu.memref_slice %arg11[%mul3A_10, %dma_start3A_15] : memref<10112x128xf32, #tpu.memory_space<vmem_shared>> -> memref<632x128xf32, #tpu.memory_space<vmem_shared>>
      tpu.enqueue_dma source(%dma_start3A_16 : memref<632x128xf32, #tpu.memory_space<vmem_shared>>) target(%dma_start3A_14 : memref<632x128xf32, #tpu.memory_space<hbm>>) target_semaphore(%run_scoped3A : memref<!tpu.dma_semaphore, #tpu.memory_space<semaphore_mem>>)
      %dma_wait3A = arith.constant 0 : i32
      %dma_wait3A_17 = tpu.memref_slice %arg6[%arg0, %mul3A_12, %dma_wait3A] : memref<2x10112x128xf32, #tpu.memory_space<hbm>> -> memref<1x632x128xf32, #tpu.memory_space<hbm>>
      %dma_wait3A_18 = tpu.memref_squeeze %dma_wait3A_17 : memref<1x632x128xf32, #tpu.memory_space<hbm>> -> memref<632x128xf32, #tpu.memory_space<hbm>>
      %dma_wait3A_19 = arith.constant 0 : i32
      %dma_wait3A_20 = tpu.memref_slice %arg11[%mul3A_10, %dma_wait3A_19] : memref<10112x128xf32, #tpu.memory_space<vmem_shared>> -> memref<632x128xf32, #tpu.memory_space<vmem_shared>>
      tpu.wait_dma2 semaphore(%run_scoped3A : memref<!tpu.dma_semaphore, #tpu.memory_space<semaphore_mem>>) src(%dma_wait3A_20 : memref<632x128xf32, #tpu.memory_space<vmem_shared>>) dst(%dma_wait3A_18 : memref<632x128xf32, #tpu.memory_space<hbm>>)
      tpu.yield
    }) : () -> ()
    return
  }
}

#map = affine_map<(d0, d1) -> (0, 0)>
#map1 = affine_map<(d0, d1) -> (0, 0, 0, 0)>
#map2 = affine_map<(d0, d1) -> (0, 0, 0)>
module attributes {stable_mosaic.version = 14 : i64} {
  func.func @k(%arg0: i32, %arg1: i32, %arg2: memref<10000x128xf32, #tpu.memory_space<hbm>>, %arg3: memref<2x16x79x128xi32, #tpu.memory_space<hbm>>, %arg4: memref<2x16x79x128xi32, #tpu.memory_space<hbm>>, %arg5: memref<10112x128xf32, #tpu.memory_space<hbm>>, %arg6: memref<2x10112x128xf32, #tpu.memory_space<hbm>>, %arg7: memref<79x128xi32, #tpu.memory_space<vmem>>, %arg8: memref<79x128xi32, #tpu.memory_space<vmem>>, %arg9: memref<128x128xf32, #tpu.memory_space<vmem>>, %arg10: memref<!tpu.dma_semaphore, #tpu.memory_space<semaphore_mem>>, %arg11: memref<10112x128xf32, #tpu.memory_space<vmem_shared>>) attributes {dimension_semantics = [#tpu.dimension_semantics<core_parallel>, #tpu.dimension_semantics<subcore_parallel>], iteration_bounds = array<i64: 2, 16>, scalar_prefetch = 0 : i64, scratch_operands = 5 : i64, tpu.core_type = #tpu.core_type<sc_vector_subcore>, window_params = [{transform_indices = #map}, {transform_indices = #map1}, {transform_indices = #map1}, {transform_indices = #map}, {transform_indices = #map2}]} {
    "tpu.region"() ({
      %run_scoped3A = tpu.sem_alloc : memref<!tpu.dma_semaphore, #tpu.memory_space<semaphore_mem>>
      %dma_start3A = arith.constant 0 : i32
      %dma_start3A_13 = arith.constant 0 : i32
      %dma_start3A_14 = tpu.memref_slice %arg3[%arg0, %arg1, %dma_start3A, %dma_start3A_13] : memref<2x16x79x128xi32, #tpu.memory_space<hbm>> -> memref<1x1x79x128xi32, #tpu.memory_space<hbm>>
      %dma_start3A_15 = tpu.memref_squeeze %dma_start3A_14 : memref<1x1x79x128xi32, #tpu.memory_space<hbm>> -> memref<79x128xi32, #tpu.memory_space<hbm>>
      %dma_start3A_16 = arith.constant 0 : i32
      %dma_start3A_17 = arith.constant 0 : i32
      %dma_start3A_18 = tpu.memref_slice %arg3[%arg0, %arg1, %dma_start3A_16, %dma_start3A_17] : memref<2x16x79x128xi32, #tpu.memory_space<hbm>> -> memref<1x1x79x128xi32, #tpu.memory_space<hbm>>
      %dma_start3A_19 = tpu.memref_squeeze %dma_start3A_18 : memref<1x1x79x128xi32, #tpu.memory_space<hbm>> -> memref<79x128xi32, #tpu.memory_space<hbm>>
      tpu.enqueue_dma source(%dma_start3A_19 : memref<79x128xi32, #tpu.memory_space<hbm>>) target(%arg7 : memref<79x128xi32, #tpu.memory_space<vmem>>) target_semaphore(%run_scoped3A : memref<!tpu.dma_semaphore, #tpu.memory_space<semaphore_mem>>)
      %dma_wait3A = arith.constant 0 : i32
      %dma_wait3A_20 = arith.constant 0 : i32
      %dma_wait3A_21 = tpu.memref_slice %arg3[%arg0, %arg1, %dma_wait3A, %dma_wait3A_20] : memref<2x16x79x128xi32, #tpu.memory_space<hbm>> -> memref<1x1x79x128xi32, #tpu.memory_space<hbm>>
      %dma_wait3A_22 = tpu.memref_squeeze %dma_wait3A_21 : memref<1x1x79x128xi32, #tpu.memory_space<hbm>> -> memref<79x128xi32, #tpu.memory_space<hbm>>
      %dma_wait3A_23 = arith.constant 0 : i32
      %dma_wait3A_24 = arith.constant 0 : i32
      %dma_wait3A_25 = tpu.memref_slice %arg3[%arg0, %arg1, %dma_wait3A_23, %dma_wait3A_24] : memref<2x16x79x128xi32, #tpu.memory_space<hbm>> -> memref<1x1x79x128xi32, #tpu.memory_space<hbm>>
      %dma_wait3A_26 = tpu.memref_squeeze %dma_wait3A_25 : memref<1x1x79x128xi32, #tpu.memory_space<hbm>> -> memref<79x128xi32, #tpu.memory_space<hbm>>
      tpu.wait_dma2 semaphore(%run_scoped3A : memref<!tpu.dma_semaphore, #tpu.memory_space<semaphore_mem>>) src(%dma_wait3A_26 : memref<79x128xi32, #tpu.memory_space<hbm>>) dst(%arg7 : memref<79x128xi32, #tpu.memory_space<vmem>>)
      tpu.yield
    }) : () -> ()
    "tpu.region"() ({
      %run_scoped3A = tpu.sem_alloc : memref<!tpu.dma_semaphore, #tpu.memory_space<semaphore_mem>>
      %dma_start3A = arith.constant 0 : i32
      %dma_start3A_13 = arith.constant 0 : i32
      %dma_start3A_14 = tpu.memref_slice %arg4[%arg0, %arg1, %dma_start3A, %dma_start3A_13] : memref<2x16x79x128xi32, #tpu.memory_space<hbm>> -> memref<1x1x79x128xi32, #tpu.memory_space<hbm>>
      %dma_start3A_15 = tpu.memref_squeeze %dma_start3A_14 : memref<1x1x79x128xi32, #tpu.memory_space<hbm>> -> memref<79x128xi32, #tpu.memory_space<hbm>>
      %dma_start3A_16 = arith.constant 0 : i32
      %dma_start3A_17 = arith.constant 0 : i32
      %dma_start3A_18 = tpu.memref_slice %arg4[%arg0, %arg1, %dma_start3A_16, %dma_start3A_17] : memref<2x16x79x128xi32, #tpu.memory_space<hbm>> -> memref<1x1x79x128xi32, #tpu.memory_space<hbm>>
      %dma_start3A_19 = tpu.memref_squeeze %dma_start3A_18 : memref<1x1x79x128xi32, #tpu.memory_space<hbm>> -> memref<79x128xi32, #tpu.memory_space<hbm>>
      tpu.enqueue_dma source(%dma_start3A_19 : memref<79x128xi32, #tpu.memory_space<hbm>>) target(%arg8 : memref<79x128xi32, #tpu.memory_space<vmem>>) target_semaphore(%run_scoped3A : memref<!tpu.dma_semaphore, #tpu.memory_space<semaphore_mem>>)
      %dma_wait3A = arith.constant 0 : i32
      %dma_wait3A_20 = arith.constant 0 : i32
      %dma_wait3A_21 = tpu.memref_slice %arg4[%arg0, %arg1, %dma_wait3A, %dma_wait3A_20] : memref<2x16x79x128xi32, #tpu.memory_space<hbm>> -> memref<1x1x79x128xi32, #tpu.memory_space<hbm>>
      %dma_wait3A_22 = tpu.memref_squeeze %dma_wait3A_21 : memref<1x1x79x128xi32, #tpu.memory_space<hbm>> -> memref<79x128xi32, #tpu.memory_space<hbm>>
      %dma_wait3A_23 = arith.constant 0 : i32
      %dma_wait3A_24 = arith.constant 0 : i32
      %dma_wait3A_25 = tpu.memref_slice %arg4[%arg0, %arg1, %dma_wait3A_23, %dma_wait3A_24] : memref<2x16x79x128xi32, #tpu.memory_space<hbm>> -> memref<1x1x79x128xi32, #tpu.memory_space<hbm>>
      %dma_wait3A_26 = tpu.memref_squeeze %dma_wait3A_25 : memref<1x1x79x128xi32, #tpu.memory_space<hbm>> -> memref<79x128xi32, #tpu.memory_space<hbm>>
      tpu.wait_dma2 semaphore(%run_scoped3A : memref<!tpu.dma_semaphore, #tpu.memory_space<semaphore_mem>>) src(%dma_wait3A_26 : memref<79x128xi32, #tpu.memory_space<hbm>>) dst(%arg8 : memref<79x128xi32, #tpu.memory_space<vmem>>)
      tpu.yield
    }) : () -> ()
    %mul3A = arith.constant 632 : i32
    %mul3A_0 = arith.muli %arg1, %mul3A : i32
    %mul3A_1 = arith.constant 632 : i32
    %mul3A_2 = arith.muli %arg1, %mul3A_1 : i32
    "tpu.region"() ({
      %run_scoped3A = tpu.sem_alloc : memref<!tpu.dma_semaphore, #tpu.memory_space<semaphore_mem>>
      %dma_start3A = arith.constant 0 : i32
      %dma_start3A_13 = tpu.memref_slice %arg11[%mul3A_2, %dma_start3A] : memref<10112x128xf32, #tpu.memory_space<vmem_shared>> -> memref<632x128xf32, #tpu.memory_space<vmem_shared>>
      %dma_start3A_14 = arith.constant 0 : i32
      %dma_start3A_15 = tpu.memref_slice %arg5[%mul3A_0, %dma_start3A_14] : memref<10112x128xf32, #tpu.memory_space<hbm>> -> memref<632x128xf32, #tpu.memory_space<hbm>>
      tpu.enqueue_dma source(%dma_start3A_15 : memref<632x128xf32, #tpu.memory_space<hbm>>) target(%dma_start3A_13 : memref<632x128xf32, #tpu.memory_space<vmem_shared>>) target_semaphore(%run_scoped3A : memref<!tpu.dma_semaphore, #tpu.memory_space<semaphore_mem>>)
      %dma_wait3A = arith.constant 0 : i32
      %dma_wait3A_16 = tpu.memref_slice %arg11[%mul3A_2, %dma_wait3A] : memref<10112x128xf32, #tpu.memory_space<vmem_shared>> -> memref<632x128xf32, #tpu.memory_space<vmem_shared>>
      %dma_wait3A_17 = arith.constant 0 : i32
      %dma_wait3A_18 = tpu.memref_slice %arg5[%mul3A_0, %dma_wait3A_17] : memref<10112x128xf32, #tpu.memory_space<hbm>> -> memref<632x128xf32, #tpu.memory_space<hbm>>
      tpu.wait_dma2 semaphore(%run_scoped3A : memref<!tpu.dma_semaphore, #tpu.memory_space<semaphore_mem>>) src(%dma_wait3A_18 : memref<632x128xf32, #tpu.memory_space<hbm>>) dst(%dma_wait3A_16 : memref<632x128xf32, #tpu.memory_space<vmem_shared>>)
      tpu.yield
    }) : () -> ()
    %barrier3A = arith.constant 0 : index
    tpu.barrier barrier_id(%barrier3A)
    %scan3A = arith.constant 0 : i32
    %scan3A_3 = arith.constant 0 : i32
    %scan3A_4 = arith.constant 79 : i32
    %scan3A_5 = arith.addi %scan3A_3, %scan3A_4 : i32
    %scan3A_6 = arith.constant 1 : i32
    scf.for %scan3A_13 = %scan3A_3 to %scan3A_5 step %scan3A_6  : i32 {
      %dma_start3A = arith.constant 0 : i32
      %dma_start3A_14 = tpu.memref_slice %arg7[%scan3A_13, %dma_start3A] : memref<79x128xi32, #tpu.memory_space<vmem>> -> memref<1x128xi32, #tpu.memory_space<vmem>>
      %dma_start3A_15 = tpu.memref_squeeze %dma_start3A_14 : memref<1x128xi32, #tpu.memory_space<vmem>> -> memref<128xi32, #tpu.memory_space<vmem>>
      %dma_start3A_16 = arith.constant 0 : i32
      %dma_start3A_17 = arith.constant 0 : i32
      %dma_start3A_18 = tpu.memref_slice %arg2[%dma_start3A_16, %dma_start3A_17] : memref<10000x128xf32, #tpu.memory_space<hbm>> -> memref<10000x128xf32, #tpu.memory_space<hbm>>
      tpu.enqueue_indirect_dma source(%dma_start3A_18 : memref<10000x128xf32, #tpu.memory_space<hbm>>) target(%arg9 : memref<128x128xf32, #tpu.memory_space<vmem>>) offsets(%dma_start3A_15 : memref<128xi32, #tpu.memory_space<vmem>>) semaphore(%arg10 : memref<!tpu.dma_semaphore, #tpu.memory_space<semaphore_mem>>)
      %dma_wait3A = arith.constant 0 : i32
      %dma_wait3A_19 = tpu.memref_slice %arg7[%scan3A_13, %dma_wait3A] : memref<79x128xi32, #tpu.memory_space<vmem>> -> memref<1x128xi32, #tpu.memory_space<vmem>>
      %dma_wait3A_20 = tpu.memref_squeeze %dma_wait3A_19 : memref<1x128xi32, #tpu.memory_space<vmem>> -> memref<128xi32, #tpu.memory_space<vmem>>
      %dma_wait3A_21 = arith.constant 0 : i32
      %dma_wait3A_22 = arith.constant 0 : i32
      %dma_wait3A_23 = tpu.memref_slice %arg2[%dma_wait3A_21, %dma_wait3A_22] : memref<10000x128xf32, #tpu.memory_space<hbm>> -> memref<10000x128xf32, #tpu.memory_space<hbm>>
      tpu.wait_indirect_dma semaphore(%arg10 : memref<!tpu.dma_semaphore, #tpu.memory_space<semaphore_mem>>) src(%dma_wait3A_23 : memref<10000x128xf32, #tpu.memory_space<hbm>>) dst(%arg9 : memref<128x128xf32, #tpu.memory_space<vmem>>)
      "tpu.region"() ({
        %run_scoped3A = tpu.sem_alloc : memref<!tpu.dma_semaphore, #tpu.memory_space<semaphore_mem>>
        %dma_start3A_24 = arith.constant 0 : i32
        %dma_start3A_25 = tpu.memref_slice %arg8[%scan3A_13, %dma_start3A_24] : memref<79x128xi32, #tpu.memory_space<vmem>> -> memref<1x128xi32, #tpu.memory_space<vmem>>
        %dma_start3A_26 = tpu.memref_squeeze %dma_start3A_25 : memref<1x128xi32, #tpu.memory_space<vmem>> -> memref<128xi32, #tpu.memory_space<vmem>>
        %dma_start3A_27 = arith.constant 0 : i32
        %dma_start3A_28 = arith.constant 0 : i32
        %dma_start3A_29 = tpu.memref_slice %arg11[%dma_start3A_27, %dma_start3A_28] : memref<10112x128xf32, #tpu.memory_space<vmem_shared>> -> memref<10112x128xf32, #tpu.memory_space<vmem_shared>>
        tpu.enqueue_indirect_dma source(%arg9 : memref<128x128xf32, #tpu.memory_space<vmem>>) target(%dma_start3A_29 : memref<10112x128xf32, #tpu.memory_space<vmem_shared>>) offsets(%dma_start3A_26 : memref<128xi32, #tpu.memory_space<vmem>>) semaphore(%run_scoped3A : memref<!tpu.dma_semaphore, #tpu.memory_space<semaphore_mem>>) {add = true}
        %dma_wait3A_30 = arith.constant 0 : i32
        %dma_wait3A_31 = tpu.memref_slice %arg8[%scan3A_13, %dma_wait3A_30] : memref<79x128xi32, #tpu.memory_space<vmem>> -> memref<1x128xi32, #tpu.memory_space<vmem>>
        %dma_wait3A_32 = tpu.memref_squeeze %dma_wait3A_31 : memref<1x128xi32, #tpu.memory_space<vmem>> -> memref<128xi32, #tpu.memory_space<vmem>>
        %dma_wait3A_33 = arith.constant 0 : i32
        %dma_wait3A_34 = arith.constant 0 : i32
        %dma_wait3A_35 = tpu.memref_slice %arg11[%dma_wait3A_33, %dma_wait3A_34] : memref<10112x128xf32, #tpu.memory_space<vmem_shared>> -> memref<10112x128xf32, #tpu.memory_space<vmem_shared>>
        tpu.wait_indirect_dma semaphore(%run_scoped3A : memref<!tpu.dma_semaphore, #tpu.memory_space<semaphore_mem>>) src(%arg9 : memref<128x128xf32, #tpu.memory_space<vmem>>) dst(%dma_wait3A_35 : memref<10112x128xf32, #tpu.memory_space<vmem_shared>>)
        tpu.yield
      }) : () -> ()
    }
    %scan3A_7 = arith.constant 79 : i32
    %barrier3A_8 = arith.constant 0 : index
    tpu.barrier barrier_id(%barrier3A_8)
    %mul3A_9 = arith.constant 632 : i32
    %mul3A_10 = arith.muli %arg1, %mul3A_9 : i32
    %mul3A_11 = arith.constant 632 : i32
    %mul3A_12 = arith.muli %arg1, %mul3A_11 : i32
    "tpu.region"() ({
      %run_scoped3A = tpu.sem_alloc : memref<!tpu.dma_semaphore, #tpu.memory_space<semaphore_mem>>
      %dma_start3A = arith.constant 0 : i32
      %dma_start3A_13 = tpu.memref_slice %arg6[%arg0, %mul3A_12, %dma_start3A] : memref<2x10112x128xf32, #tpu.memory_space<hbm>> -> memref<1x632x128xf32, #tpu.memory_space<hbm>>
      %dma_start3A_14 = tpu.memref_squeeze %dma_start3A_13 : memref<1x632x128xf32, #tpu.memory_space<hbm>> -> memref<632x128xf32, #tpu.memory_space<hbm>>
      %dma_start3A_15 = arith.constant 0 : i32
      %dma_start3A_16 = tpu.memref_slice %arg11[%mul3A_10, %dma_start3A_15] : memref<10112x128xf32, #tpu.memory_space<vmem_shared>> -> memref<632x128xf32, #tpu.memory_space<vmem_shared>>
      tpu.enqueue_dma source(%dma_start3A_16 : memref<632x128xf32, #tpu.memory_space<vmem_shared>>) target(%dma_start3A_14 : memref<632x128xf32, #tpu.memory_space<hbm>>) target_semaphore(%run_scoped3A : memref<!tpu.dma_semaphore, #tpu.memory_space<semaphore_mem>>)
      %dma_wait3A = arith.constant 0 : i32
      %dma_wait3A_17 = tpu.memref_slice %arg6[%arg0, %mul3A_12, %dma_wait3A] : memref<2x10112x128xf32, #tpu.memory_space<hbm>> -> memref<1x632x128xf32, #tpu.memory_space<hbm>>
      %dma_wait3A_18 = tpu.memref_squeeze %dma_wait3A_17 : memref<1x632x128xf32, #tpu.memory_space<hbm>> -> memref<632x128xf32, #tpu.memory_space<hbm>>
      %dma_wait3A_19 = arith.constant 0 : i32
      %dma_wait3A_20 = tpu.memref_slice %arg11[%mul3A_10, %dma_wait3A_19] : memref<10112x128xf32, #tpu.memory_space<vmem_shared>> -> memref<632x128xf32, #tpu.memory_space<vmem_shared>>
      tpu.wait_dma2 semaphore(%run_scoped3A : memref<!tpu.dma_semaphore, #tpu.memory_space<semaphore_mem>>) src(%dma_wait3A_20 : memref<632x128xf32, #tpu.memory_space<vmem_shared>>) dst(%dma_wait3A_18 : memref<632x128xf32, #tpu.memory_space<hbm>>)
      tpu.yield
    }) : () -> ()
    return
  }
}

module attributes {stable_mosaic.version = 14 : i64} {
  func.func @body(%arg0: memref<2x10112x128xf32, #tpu.memory_space<vmem>>, %arg1: memref<10000x128xf32, #tpu.memory_space<vmem>>, %arg2: memref<128x128xf32, #tpu.memory_space<vmem>>, %arg3: memref<10000x128xf32, #tpu.memory_space<vmem>>, %arg4: memref<10000x128xf32, #tpu.memory_space<vmem>>) attributes {dimension_semantics = [], scalar_prefetch = 0 : i64, scratch_operands = 0 : i64, tpu.core_type = #tpu.core_type<tc>} {
    %get3A = arith.constant 0 : index
    %get3A_0 = arith.constant 0 : index
    %get3A_1 = arith.constant 0 : index
    %get3A_2 = vector.load %arg0[%get3A, %get3A_0, %get3A_1] : memref<2x10112x128xf32, #tpu.memory_space<vmem>>, vector<2x10112x128xf32>
    %slice3A = vector.extract_strided_slice %get3A_2 {offsets = [0, 0, 0], sizes = [1, 10112, 1], strides = [1, 1, 1]} : vector<2x10112x128xf32> to vector<1x10112x1xf32>
    %squeeze3A = vector.shape_cast %slice3A : vector<1x10112x1xf32> to vector<10112x1xf32>
    %slice3A_3 = vector.extract_strided_slice %get3A_2 {offsets = [1, 0, 0], sizes = [1, 10112, 1], strides = [1, 1, 1]} : vector<2x10112x128xf32> to vector<1x10112x1xf32>
    %squeeze3A_4 = vector.shape_cast %slice3A_3 : vector<1x10112x1xf32> to vector<10112x1xf32>
    %add3A = arith.addf %squeeze3A, %squeeze3A_4 : vector<10112x1xf32>
    %add3A_5 = arith.constant 1.000000e+00 : f32
    %add3A_6 = vector.broadcast %add3A_5 : f32 to vector<10112x1xf32>
    %add3A_7 = arith.addf %add3A, %add3A_6 : vector<10112x1xf32>
    %rsqrt3A = math.rsqrt %add3A_7 : vector<10112x1xf32>
    %slice3A_8 = vector.extract_strided_slice %rsqrt3A {offsets = [0, 0], sizes = [10000, 1], strides = [1, 1]} : vector<10112x1xf32> to vector<10000x1xf32>
    %get3A_9 = arith.constant 0 : index
    %get3A_10 = arith.constant 0 : index
    %get3A_11 = vector.load %arg1[%get3A_9, %get3A_10] : memref<10000x128xf32, #tpu.memory_space<vmem>>, vector<10000x128xf32>
    %get3A_12 = arith.constant 0 : index
    %get3A_13 = arith.constant 0 : index
    %get3A_14 = vector.load %arg2[%get3A_12, %get3A_13] : memref<128x128xf32, #tpu.memory_space<vmem>>, vector<128x128xf32>
    %dot_general3A = arith.constant dense<0.000000e+00> : vector<10000x128xf32>
    %dot_general3A_15 = tpu.matmul %get3A_11, %get3A_14, %dot_general3A {dimension_numbers = #tpu.dot_dimension_numbers<[1], [0], [0], [1], [0, 0, 1, 1], [], []>, transpose_lhs_hint = false} : vector<10000x128xf32>, vector<128x128xf32>, vector<10000x128xf32> -> vector<10000x128xf32>
    %swap3A = arith.constant 0 : index
    %swap3A_16 = arith.constant 0 : index
    %swap3A_17 = vector.load %arg3[%swap3A, %swap3A_16] : memref<10000x128xf32, #tpu.memory_space<vmem>>, vector<10000x128xf32>
    tpu.vector_store %arg3[%swap3A, %swap3A_16], %dot_general3A_15 {strides = array<i32>} : memref<10000x128xf32, #tpu.memory_space<vmem>>, vector<10000x128xf32>,
    %mul3A = vector.broadcast %slice3A_8 : vector<10000x1xf32> to vector<10000x128xf32>
    %mul3A_18 = arith.mulf %dot_general3A_15, %mul3A : vector<10000x128xf32>
    %swap3A_19 = arith.constant 0 : index
    %swap3A_20 = arith.constant 0 : index
    %swap3A_21 = vector.load %arg4[%swap3A_19, %swap3A_20] : memref<10000x128xf32, #tpu.memory_space<vmem>>, vector<10000x128xf32>
    tpu.vector_store %arg4[%swap3A_19, %swap3A_20], %mul3A_18 {strides = array<i32>} : memref<10000x128xf32, #tpu.memory_space<vmem>>, vector<10000x128xf32>,
    return
  }
}

module attributes {stable_mosaic.version = 14 : i64} {
  func.func @body(%arg0: memref<2x10112x128xf32, #tpu.memory_space<vmem>>, %arg1: memref<10000x128xf32, #tpu.memory_space<vmem>>, %arg2: memref<2x10112x128xf32, #tpu.memory_space<vmem>>, %arg3: memref<1x128xf32, #tpu.memory_space<vmem>>, %arg4: memref<128x128xf32, #tpu.memory_space<vmem>>, %arg5: memref<10000x128xf32, #tpu.memory_space<vmem>>, %arg6: memref<10000x128xf32, #tpu.memory_space<vmem>>) attributes {dimension_semantics = [], scalar_prefetch = 0 : i64, scratch_operands = 0 : i64, tpu.core_type = #tpu.core_type<tc>} {
    %get3A = arith.constant 0 : index
    %get3A_0 = arith.constant 0 : index
    %get3A_1 = arith.constant 0 : index
    %get3A_2 = vector.load %arg2[%get3A, %get3A_0, %get3A_1] : memref<2x10112x128xf32, #tpu.memory_space<vmem>>, vector<2x10112x128xf32>
    %slice3A = vector.extract_strided_slice %get3A_2 {offsets = [0, 0, 0], sizes = [1, 10112, 1], strides = [1, 1, 1]} : vector<2x10112x128xf32> to vector<1x10112x1xf32>
    %squeeze3A = vector.shape_cast %slice3A : vector<1x10112x1xf32> to vector<10112x1xf32>
    %slice3A_3 = vector.extract_strided_slice %get3A_2 {offsets = [1, 0, 0], sizes = [1, 10112, 1], strides = [1, 1, 1]} : vector<2x10112x128xf32> to vector<1x10112x1xf32>
    %squeeze3A_4 = vector.shape_cast %slice3A_3 : vector<1x10112x1xf32> to vector<10112x1xf32>
    %add3A = arith.addf %squeeze3A, %squeeze3A_4 : vector<10112x1xf32>
    %add3A_5 = arith.constant 1.000000e+00 : f32
    %add3A_6 = vector.broadcast %add3A_5 : f32 to vector<10112x1xf32>
    %add3A_7 = arith.addf %add3A, %add3A_6 : vector<10112x1xf32>
    %rsqrt3A = math.rsqrt %add3A_7 : vector<10112x1xf32>
    %slice3A_8 = vector.extract_strided_slice %rsqrt3A {offsets = [0, 0], sizes = [10000, 1], strides = [1, 1]} : vector<10112x1xf32> to vector<10000x1xf32>
    %get3A_9 = arith.constant 0 : index
    %get3A_10 = arith.constant 0 : index
    %get3A_11 = arith.constant 0 : index
    %get3A_12 = vector.load %arg0[%get3A_9, %get3A_10, %get3A_11] : memref<2x10112x128xf32, #tpu.memory_space<vmem>>, vector<1x10000x128xf32>
    %get3A_13 = vector.shape_cast %get3A_12 : vector<1x10000x128xf32> to vector<10000x128xf32>
    %get3A_14 = arith.constant 1 : index
    %get3A_15 = arith.constant 0 : index
    %get3A_16 = arith.constant 0 : index
    %get3A_17 = vector.load %arg0[%get3A_14, %get3A_15, %get3A_16] : memref<2x10112x128xf32, #tpu.memory_space<vmem>>, vector<1x10000x128xf32>
    %get3A_18 = vector.shape_cast %get3A_17 : vector<1x10000x128xf32> to vector<10000x128xf32>
    %add3A_19 = arith.addf %get3A_13, %get3A_18 : vector<10000x128xf32>
    %get3A_20 = arith.constant 0 : index
    %get3A_21 = arith.constant 0 : index
    %get3A_22 = vector.load %arg1[%get3A_20, %get3A_21] : memref<10000x128xf32, #tpu.memory_space<vmem>>, vector<10000x128xf32>
    %mul3A = vector.broadcast %slice3A_8 : vector<10000x1xf32> to vector<10000x128xf32>
    %mul3A_23 = arith.mulf %mul3A, %add3A_19 : vector<10000x128xf32>
    %mul3A_24 = arith.mulf %slice3A_8, %slice3A_8 : vector<10000x1xf32>
    %mul3A_25 = vector.broadcast %mul3A_24 : vector<10000x1xf32> to vector<10000x128xf32>
    %mul3A_26 = arith.mulf %get3A_22, %mul3A_25 : vector<10000x128xf32>
    %add3A_27 = arith.addf %mul3A_23, %mul3A_26 : vector<10000x128xf32>
    %get3A_28 = arith.constant 0 : index
    %get3A_29 = arith.constant 0 : index
    %get3A_30 = vector.load %arg3[%get3A_28, %get3A_29] : memref<1x128xf32, #tpu.memory_space<vmem>>, vector<1x128xf32>
    %add3A_31 = vector.broadcast %get3A_30 : vector<1x128xf32> to vector<10000x128xf32>
    %add3A_32 = arith.addf %add3A_27, %add3A_31 : vector<10000x128xf32>
    %max3A = arith.constant 0.000000e+00 : f32
    %max3A_33 = vector.broadcast %max3A : f32 to vector<10000x128xf32>
    %max3A_34 = arith.maximumf %add3A_32, %max3A_33 : vector<10000x128xf32>
    %get3A_35 = arith.constant 0 : index
    %get3A_36 = arith.constant 0 : index
    %get3A_37 = vector.load %arg4[%get3A_35, %get3A_36] : memref<128x128xf32, #tpu.memory_space<vmem>>, vector<128x128xf32>
    %dot_general3A = arith.constant dense<0.000000e+00> : vector<10000x128xf32>
    %dot_general3A_38 = tpu.matmul %max3A_34, %get3A_37, %dot_general3A {dimension_numbers = #tpu.dot_dimension_numbers<[1], [0], [0], [1], [0, 0, 1, 1], [], []>, transpose_lhs_hint = false} : vector<10000x128xf32>, vector<128x128xf32>, vector<10000x128xf32> -> vector<10000x128xf32>
    %swap3A = arith.constant 0 : index
    %swap3A_39 = arith.constant 0 : index
    %swap3A_40 = vector.load %arg5[%swap3A, %swap3A_39] : memref<10000x128xf32, #tpu.memory_space<vmem>>, vector<10000x128xf32>
    tpu.vector_store %arg5[%swap3A, %swap3A_39], %dot_general3A_38 {strides = array<i32>} : memref<10000x128xf32, #tpu.memory_space<vmem>>, vector<10000x128xf32>,
    %mul3A_41 = vector.broadcast %slice3A_8 : vector<10000x1xf32> to vector<10000x128xf32>
    %mul3A_42 = arith.mulf %dot_general3A_38, %mul3A_41 : vector<10000x128xf32>
    %swap3A_43 = arith.constant 0 : index
    %swap3A_44 = arith.constant 0 : index
    %swap3A_45 = vector.load %arg6[%swap3A_43, %swap3A_44] : memref<10000x128xf32, #tpu.memory_space<vmem>>, vector<10000x128xf32>
    tpu.vector_store %arg6[%swap3A_43, %swap3A_44], %mul3A_42 {strides = array<i32>} : memref<10000x128xf32, #tpu.memory_space<vmem>>, vector<10000x128xf32>,
    return
  }
}

module attributes {stable_mosaic.version = 14 : i64} {
  func.func @body(%arg0: memref<2x10112x128xf32, #tpu.memory_space<vmem>>, %arg1: memref<10000x128xf32, #tpu.memory_space<vmem>>, %arg2: memref<2x10112x128xf32, #tpu.memory_space<vmem>>, %arg3: memref<1x128xf32, #tpu.memory_space<vmem>>, %arg4: memref<10000x128xf32, #tpu.memory_space<vmem>>) attributes {dimension_semantics = [], scalar_prefetch = 0 : i64, scratch_operands = 0 : i64, tpu.core_type = #tpu.core_type<tc>} {
    %get3A = arith.constant 0 : index
    %get3A_0 = arith.constant 0 : index
    %get3A_1 = arith.constant 0 : index
    %get3A_2 = vector.load %arg2[%get3A, %get3A_0, %get3A_1] : memref<2x10112x128xf32, #tpu.memory_space<vmem>>, vector<2x10112x128xf32>
    %slice3A = vector.extract_strided_slice %get3A_2 {offsets = [0, 0, 0], sizes = [1, 10112, 1], strides = [1, 1, 1]} : vector<2x10112x128xf32> to vector<1x10112x1xf32>
    %squeeze3A = vector.shape_cast %slice3A : vector<1x10112x1xf32> to vector<10112x1xf32>
    %slice3A_3 = vector.extract_strided_slice %get3A_2 {offsets = [1, 0, 0], sizes = [1, 10112, 1], strides = [1, 1, 1]} : vector<2x10112x128xf32> to vector<1x10112x1xf32>
    %squeeze3A_4 = vector.shape_cast %slice3A_3 : vector<1x10112x1xf32> to vector<10112x1xf32>
    %add3A = arith.addf %squeeze3A, %squeeze3A_4 : vector<10112x1xf32>
    %add3A_5 = arith.constant 1.000000e+00 : f32
    %add3A_6 = vector.broadcast %add3A_5 : f32 to vector<10112x1xf32>
    %add3A_7 = arith.addf %add3A, %add3A_6 : vector<10112x1xf32>
    %rsqrt3A = math.rsqrt %add3A_7 : vector<10112x1xf32>
    %slice3A_8 = vector.extract_strided_slice %rsqrt3A {offsets = [0, 0], sizes = [10000, 1], strides = [1, 1]} : vector<10112x1xf32> to vector<10000x1xf32>
    %get3A_9 = arith.constant 0 : index
    %get3A_10 = arith.constant 0 : index
    %get3A_11 = arith.constant 0 : index
    %get3A_12 = vector.load %arg0[%get3A_9, %get3A_10, %get3A_11] : memref<2x10112x128xf32, #tpu.memory_space<vmem>>, vector<1x10000x128xf32>
    %get3A_13 = vector.shape_cast %get3A_12 : vector<1x10000x128xf32> to vector<10000x128xf32>
    %get3A_14 = arith.constant 1 : index
    %get3A_15 = arith.constant 0 : index
    %get3A_16 = arith.constant 0 : index
    %get3A_17 = vector.load %arg0[%get3A_14, %get3A_15, %get3A_16] : memref<2x10112x128xf32, #tpu.memory_space<vmem>>, vector<1x10000x128xf32>
    %get3A_18 = vector.shape_cast %get3A_17 : vector<1x10000x128xf32> to vector<10000x128xf32>
    %add3A_19 = arith.addf %get3A_13, %get3A_18 : vector<10000x128xf32>
    %mul3A = vector.broadcast %slice3A_8 : vector<10000x1xf32> to vector<10000x128xf32>
    %mul3A_20 = arith.mulf %mul3A, %add3A_19 : vector<10000x128xf32>
    %get3A_21 = arith.constant 0 : index
    %get3A_22 = arith.constant 0 : index
    %get3A_23 = vector.load %arg1[%get3A_21, %get3A_22] : memref<10000x128xf32, #tpu.memory_space<vmem>>, vector<10000x128xf32>
    %mul3A_24 = arith.mulf %slice3A_8, %slice3A_8 : vector<10000x1xf32>
    %mul3A_25 = vector.broadcast %mul3A_24 : vector<10000x1xf32> to vector<10000x128xf32>
    %mul3A_26 = arith.mulf %get3A_23, %mul3A_25 : vector<10000x128xf32>
    %add3A_27 = arith.addf %mul3A_20, %mul3A_26 : vector<10000x128xf32>
    %get3A_28 = arith.constant 0 : index
    %get3A_29 = arith.constant 0 : index
    %get3A_30 = vector.load %arg3[%get3A_28, %get3A_29] : memref<1x128xf32, #tpu.memory_space<vmem>>, vector<1x128xf32>
    %add3A_31 = vector.broadcast %get3A_30 : vector<1x128xf32> to vector<10000x128xf32>
    %add3A_32 = arith.addf %add3A_27, %add3A_31 : vector<10000x128xf32>
    %iota3A = tpu.iota {dimensions = array<i32: 0>} : vector<10000x1xi32>
    %eq3A = arith.constant 0 : i32
    %eq3A_33 = vector.broadcast %eq3A : i32 to vector<10000x1xi32>
    %eq3A_34 = arith.cmpi eq, %iota3A, %eq3A_33 : vector<10000x1xi32>
    %jit3A = arith.constant 0.000000e+00 : f32
    %broadcast_in_dim3A = vector.shape_cast %eq3A_34 : vector<10000x1xi1> to vector<10000x1xi1>
    %broadcast_in_dim3A_35 = vector.broadcast %broadcast_in_dim3A : vector<10000x1xi1> to vector<10000x128xi1>
    %broadcast_in_dim3A_36 = vector.broadcast %jit3A : f32 to vector<10000x128xf32>
    %select_n3A = arith.select %broadcast_in_dim3A_35, %broadcast_in_dim3A_36, %add3A_32 : vector<10000x128xi1>, vector<10000x128xf32>
    %swap3A = arith.constant 0 : index
    %swap3A_37 = arith.constant 0 : index
    %swap3A_38 = vector.load %arg4[%swap3A, %swap3A_37] : memref<10000x128xf32, #tpu.memory_space<vmem>>, vector<10000x128xf32>
    tpu.vector_store %arg4[%swap3A, %swap3A_37], %select_n3A {strides = array<i32>} : memref<10000x128xf32, #tpu.memory_space<vmem>>, vector<10000x128xf32>,
    return
  }
}

</mosaic_0001>

<sc_bundles>
// kernel: kernel.11.cloned.1.call-start
scs
__scs_entry_jumppad:
0x0: {  	(pc) =	sbr.rel $0x88, $3  }
0x1: {  	(tag) =	ssettag $0x0;
	lr =	simm.s32 $0x1  }
0x2: {  	[smem:$0x3F9B] =	sst lr;
	_ =	strace $0xD0000000  }
0x3: {  	_ = 	snop  }
0x4: {  	_ = 	snop  }
0x5: {  	_ = 	snop  }
0x6: {  	_ = 	snop  }
0x7: {  	_ = 	snop  }
__scs_overlays_trampoline_lowered:
0x8: {  	[smem:$0x3FAA] =	sst s0  }
0x9: {  	[smem:$0x3FAB] =	sst s1  }
0xa: {  	[smem:$0x3FAC] =	sst s2  }
0xb: {  	[smem:$0x3FAD] =	sst s3  }
0xc: {  	[smem:$0x3FAE] =	sst s4  }
0xd: {  	[smem:$0x3FAF] =	sst s5  }
0xe: {  	[smem:$0x3FB0] =	sst s6  }
0xf: {  	[smem:$0x3FB1] =	sst s7  }
0x10: {  	[smem:$0x3FB2] =	sst s8  }
0x11: {  	[smem:$0x3FB3] =	sst s9;
	s0 =	simm.s32 @!p0 $0x0  }
0x12: {  	s1 =	sld [smem:$0x3F99];
	s0 =	simm.s32 @p0 $0x1  }
0x13: {  	[smem:$0x3FB4] =	sst s0;
	s0 =	simm.s32 @!p1 $0x0  }
0x14: {  	s2 =	sld [smem:$0x3F98];
	s0 =	simm.s32 @p1 $0x1  }
0x15: {  	[smem:$0x3FB5] =	sst s0;
	s0 =	simm.s32 @!p2 $0x0  }
0x16: {  	s3 =	sld [smem:$0x3FDB];
	s0 =	simm.s32 @p2 $0x1  }
0x17: {  	s4 =	simm.s32 $0x1BF5;
	[smem:$0x3FB7] =	sst s0  }
0x18: {  	s0 =	sld [smem:$0x3F9A];
	_ =	swait.ge [sflag:s4], $0x0  }
0x19: {  	s7 =	sld [smem:$0x3F9B]  }
0x1a: {  	s8 =	sadd.s32 $0xFFFFE003, lr  }
0x1b: {  	s9 =	sadd.s32 $0xFFFFFEF7, lr;
	s5 =	simm.s32 $0xFFFFFFFF;
	p2 =	slt.u32 s8, $0xFFFFF086  }
0x1c: {  	p1 =	slt.u32 s9, $0xF7A;
	s5 =	simm.s32 @!p2 $0x0  }
0x1d: {  	s5 =	simm.s32 @p1 $0x1;
	p0 =	seq.s32 s7, s2  }
0x1e: {  	s7 =	smul.u32 @!p0 $0xF7A, s2;
	p2 =	seq.s32 @!p0 s5, $0x0  }
0x1f: {  	s9 =	smul.u32 $0xF7A, s1;
	s8 =	simm.s32 @!p0 $0x1BF5;
	p2 =	por !p2, p0  }
0x20: {  	[sflag:s8] =	ssyncset.s32 @!p0 $0xFFFFF086;
	s6 =	sadd.s32 @!p0 s3, s7;
	s7 =	simm.s32 @!p0 $0x108  }
0x21: {  	s3 =	sadd.s32 s3, s9;
	s6 =	sadd.s32 @!p0 $0x88, s6;
	s7 =	simm.s32 @p2 $0x1082  }
0x22: {  	[simem:s7], [sflag:s8] =	dma.local @!p0 [hbm:s6], $0xF7A  }
0x23: {  	s9 =	sor.u32 $0xD0000000, s2;
	s6 =	simm.s32 $0x108;
	_ =	swait.ge @!p0 [sflag:s8], $0x0  }
0x24: {  	s3 =	sadd.s32 $0x88, s3;
	s6 =	simm.s32 @!p1 $0x1082;
	[sflag:s4] =	ssyncset.s32 $0xFFFFF086  }
0x25: {  	[simem:s6], [sflag:s4] =	dma.local [hbm:s3], $0xF7A  }
0x26: {  	[smem:$0x3F9B] =	sst s1;
	(tag) =	ssettag s2;
	_ =	strace s9  }
0x27: {  	s1 =	sld [smem:$0x3FAB]  }
0x28: {  	s2 =	sld [smem:$0x3FAC]  }
0x29: {  	s4 =	sld [smem:$0x3FAE]  }
0x2a: {  	p0 =	seq.s32 s5, $0x0;
	s5 =	sld [smem:$0x3FAF]  }
0x2b: {  	s6 =	sld [smem:$0x3FB0]  }
0x2c: {  	s7 =	sld [smem:$0x3FB1]  }
0x2d: {  	s3 =	simm.s32 $0x108;
	s8 =	sld [smem:$0x3FB2]  }
0x2e: {  	s3 =	simm.s32 @!p0 $0x1082;
	s9 =	sld [smem:$0x3FB3]  }
0x2f: {  	lr =	sadd.s32 s0, s3;
	s0 =	sld [smem:$0x3FAA]  }
0x30: {  	s3 =	sld [smem:$0x3FAD]  }
0x31: {  	[smem:$0x3FB6] =	sst s10  }
0x32: {  	s10 =	sld [smem:$0x3FB4];
	_ =	sdelay $0x3  }
0x33: {  	p0 =	seq.s32 s10, $0x1;
	s10 =	sld [smem:$0x3FB6];
	_ =	sdelay $0x3  }
0x34: {  	[smem:$0x3FB6] =	sst s10  }
0x35: {  	s10 =	sld [smem:$0x3FB5];
	_ =	sdelay $0x3  }
0x36: {  	p1 =	seq.s32 s10, $0x1;
	s10 =	sld [smem:$0x3FB6];
	_ =	sdelay $0x3  }
0x37: {  	[smem:$0x3FB6] =	sst s10  }
0x38: {  	s10 =	sld [smem:$0x3FB7]  }
0x39: {  	_ = 	snop;
	(pc) =	sbr.ind lr, $3  }
0x3a: {  	_ = 	snop  }
0x3b: {  	_ = 	snop  }
0x3c: {  	p2 =	seq.s32 s10, $0x1;
	s10 =	sld [smem:$0x3FB6]  }
0x3d: {  	_ =	shalt  }
0x3e: {  	_ =	shalt  }
0x3f: {  	_ =	shalt  }
0x40: {  	_ =	shalt  }
0x41: {  	_ =	shalt  }
0x42: {  	_ =	shalt  }
0x43: {  	_ =	shalt  }
0x44: {  	_ =	shalt  }
0x45: {  	_ =	shalt  }
0x46: {  	_ =	shalt  }
0x47: {  	_ =	shalt  }
0x48: {  	_ =	shalt  }
0x49: {  	_ =	shalt  }
0x4a: {  	_ =	shalt  }
0x4b: {  	_ =	shalt  }
0x4c: {  	_ =	shalt  }
0x4d: {  	_ =	shalt  }
0x4e: {  	_ =	shalt  }
0x4f: {  	_ =	shalt  }
0x50: {  	_ =	shalt  }
0x51: {  	_ =	shalt  }
0x52: {  	_ =	shalt  }
0x53: {  	_ =	shalt  }
0x54: {  	_ =	shalt  }
0x55: {  	_ =	shalt  }
0x56: {  	_ =	shalt  }
0x57: {  	_ =	shalt  }
0x58: {  	_ =	shalt  }
0x59: {  	_ =	shalt  }
0x5a: {  	_ =	shalt  }
0x5b: {  	_ =	shalt  }
0x5c: {  	_ =	shalt  }
0x5d: {  	_ =	shalt  }
0x5e: {  	_ =	shalt  }
0x5f: {  	_ =	shalt  }
0x60: {  	_ =	shalt  }
0x61: {  	_ =	shalt  }
0x62: {  	_ =	shalt  }
0x63: {  	_ =	shalt  }
0x64: {  	_ =	shalt  }
0x65: {  	_ =	shalt  }
0x66: {  	_ =	shalt  }
0x67: {  	_ =	shalt  }
0x68: {  	_ =	shalt  }
0x69: {  	_ =	shalt  }
0x6a: {  	_ =	shalt  }
0x6b: {  	_ =	shalt  }
0x6c: {  	_ =	shalt  }
0x6d: {  	_ =	shalt  }
0x6e: {  	_ =	shalt  }
0x6f: {  	_ =	shalt  }
0x70: {  	_ =	shalt  }
0x71: {  	_ =	shalt  }
0x72: {  	_ =	shalt  }
0x73: {  	_ =	shalt  }
0x74: {  	_ =	shalt  }
0x75: {  	_ =	shalt  }
0x76: {  	_ =	shalt  }
0x77: {  	_ =	shalt  }
0x78: {  	_ =	shalt  }
0x79: {  	_ =	shalt  }
0x7a: {  	_ =	shalt  }
0x7b: {  	_ =	shalt  }
0x7c: {  	_ =	shalt  }
0x7d: {  	_ =	shalt  }
0x7e: {  	_ =	shalt  }
0x7f: {  	_ =	shalt  }
0x80: {  	_ =	shalt  }
0x81: {  	_ =	shalt  }
0x82: {  	_ =	shalt  }
0x83: {  	_ =	shalt  }
0x84: {  	_ =	shalt  }
0x85: {  	_ =	shalt  }
0x86: {  	_ =	shalt  }
0x87: {  	_ =	shalt  }
.Lfunc_end0:
.L_simem_size_0:
called_computation.1_lowered:
.L_overlay_start_0:
0x88: {  	s2 =	sld [smem:$0x3FD9]  }
0x89: {  	s3 =	sld [smem:$0x3FFE];
	_ =	sdelay $0x1  }
0x8a: {  	s1 =	srdreg.scid  }
0x8b: {  	s0 =	sand.u32 $0x1, s1  }
0x8c: {  	s17 =	sshll.u32 s0, $0xA;
	s2 =	sadd.s32 s3, s2  }
0x8d: {  	s2 =	sadd.s32 s2, s17  }
0x8e: {  	[smem:$0x3FC2] =	sst s2  }
0x8f: {  	_ = 	snop  }
0x90: {  	s2 =	sld [smem:$0x3FD0];
	(tm) =	ssettm $0x1  }
0x91: {  	s18 =	sld [smem:$0x3FFB];
	_ =	sdelay $0x3  }
0x92: {  	_ =	strace s18  }
0x93: {  	s3 =	sld [smem:$0x3FFC];
	_ =	sdelay $0x3  }
0x94: {  	_ =	strace s3  }
0x95: {  	s3 =	sld [smem:$0x3FFD];
	_ =	sdelay $0x3  }
0x96: {  	_ =	strace s3  }
0x97: {  	_ =	strace $0x8FFFFFFF  }
0x98: {  	s19 =	sld [smem:$0x3FDB];
	_ =	sdelay $0x1  }
0x99: {  	s4 =	simm.s32 $_scs_section_size  }
0x9a: {  	s5 =	simm.s32 $_size__tile_overlayer_lowered;
	s6 =	simm.s32 $_tile_overlayer_lowered  }
0x9b: {  	s22 =	simm.s32 $0x1BFF;
	s21 =	sshll.u32 s6, $0x1;
	s3 =	sadd.s32 s4, s19  }
0x9c: {  	s7 =	simm.s32 $0x0;
	s20 =	sshll.u32 s5, $0x1;
	s5 =	sadd.s32 s21, s3  }
0x9d: {  	[timem:s7], [sflag:s22] =	dma.local [hbm:s5], s20  }
0x9e: {  	_ =	swait.ge [sflag:s22], s20  }
0x9f: {  	s4 =	ssub.s32 $0x0, s20;
	[sflag:s22] =	ssyncset.done $0x0  }
0xa0: {  	[sflag:s22] =	ssyncadd.s32 s4;
	_ =	sdelay $0x1  }
0xa1: {  	s23 =	simm.s32 $0x1B8B  }
0xa2: {  	_ =	swait.ge [sflag:s23], $0x1  }
0xa3: {  	[sflag:s23] =	ssyncset.done $0x0  }
0xa4: {  	s25 =	simm.s32 $0x1B8E;
	s24 =	sld [smem:$0x3FFE];
	[sflag:s23] =	ssyncadd.s32 $0xFFFFFFFF  }
0xa5: {  	s26 =	simm.s32 $execute0_lowered;
	[smem:$0x3FD2] =	sst s25  }
0xa6: {  	s5 =	sshll.u32 s26, $0x1;
	_ =	strace $0x80000049;
	[dreg:$0x1] =	wrdreg $0xFFFFFFFF  }
0xa7: {  	s28 =	simm.s32 $_size_execute0_lowered;
	s3 =	sadd.s32 s3, s5;
	[dreg:$0x0] =	wrdreg $0x0  }
0xa8: {  	s5 =	sshll.u32 s28, $0x1;
	[dreg:$0x2] =	wrdreg s3  }
0xa9: {  	[dreg:$0x3] =	wrdreg s5  }
0xaa: {  	[dreg:$0x4] =	wrdreg $0xC0  }
0xab: {  	_ =	task [dreg:s7], $0x5FFFF  }
0xac: {  	[dreg:$0x1] =	wrdreg $0xFFFFFFFF  }
0xad: {  	[dreg:$0x0] =	wrdreg $0x60  }
0xae: {  	[dreg:$0x2] =	wrdreg s2  }
0xaf: {  	[dreg:$0x3] =	wrdreg s24  }
0xb0: {  	[dreg:$0x4] =	wrdreg $0x90000  }
0xb1: {  	[dreg:$0x5] =	wrdreg $0x9  }
0xb2: {  	_ =	task.clear_ibuf [dreg:s7], $0x6FFFF;
	_ =	strace $0x90000049  }
0xb3: {  	s29 =	simm.s32 $0x9;
	_ =	strace $0x8000004B  }
0xb4: {  	_ =	swait.ge [sflag:s29], $0x1  }
0xb5: {  	[sflag:s29] =	ssyncadd.s32 $0xFFFFFFFF  }
0xb6: {  	_ =	strace $0x9000004B  }
0xb7: {  	_ =	sfence  }
0xb8: {  	s30 =	sld [smem:$0x0];
	_ =	sdelay $0x2  }
0xb9: {  	s31 =	sshll.u32 s1, $0xD;
	s1 =	sshrl.u32 s1, $0x2  }
0xba: {  	s3 =	sand.u32 $0x4000, s31;
	s1 =	sadd.s32 s1, s30  }
0xbb: {  	s0 =	sor.u32 s3, s0;
	s1 =	sshll.u32 s1, $0x11  }
0xbc: {  	s0 =	sor.u32 s1, s0  }
0xbd: {  	s0 =	sadd.s32 $0x8F2B, s0  }
0xbe: {  	[sflag:s0] =	ssyncadd.remote.s32 $0x1  }
0xbf: {  	_ =	sfence.sel $0xFFFF  }
0xc0: {  	[dreg:$0x0] =	wrdreg $0xFFFFFFFF;
	(pc) =	sbr.abs _section_cstart, $3  }
0xc1: {  	[dreg:$0x1] =	wrdreg $0xFFFFFFFF  }
0xc2: {  	_ =	task.clear_ibuf [dreg:s7], $0x2FFFF;
	_ =	strace $0x9FFFFFFF  }
0xc3: {  	(tm) =	ssettm $0x7FFFFFFF  }
tec
execute0_lowered:
.L_overlay_start_1:
0x0: {  	(tag) =	ssettag $0x1  }
0x1: {  	s1 =	rddreg [dreg:$0x0]  }
0x2: {  	s5 =	rddreg [dreg:$0x1]  }
0x3: {  	s0 =	srdreg.scid;
	s3 =	rddreg [dreg:$0x2]  }
0x4: {  	s2 =	rddreg [dreg:$0x3];
	s6 =	sand.u32 $0x1, s0  }
0x5: {  	s4 =	simm.s32 $0x0;
	s0 =	stileid.u32;
	s7 =	smul.u32 $0x28000, s6  }
0x6: {  	s14 =	simm.s32 $0x80;
	s15 =	simm.s32 $0x5000;
	s8 =	smul.u32 $0x2800, s0  }
0x7: {  	s16 =	simm.s32 $0x1;
	[smem:$0x7FF] =	sst s4;
	s30 =	smul.u32 $0x13C00, s0  }
0x8: {  	s17 =	simm.s32 $0x0;
	s9 =	smul.u32 $0x13C000, s6;
	_ =	strace $0x8000004A  }
0x9: {  	s6 =	ssub.s32 $0x2, s6;
	s31 =	smul.u32 $0x4F000, s0;
	s12 =	sshll.u32 s0, $0x6  }
0xa: {  	s11 =	sshrl.u32 s6, $0x1;
	s12 =	sor.u32 $0x1C02, s12;
	s7 =	sadd.s32 s8, s7  }
0xb: {  	s10 =	sshrl.u32 s30, $0x3;
	s8 =	sadd.s32 s30, s9;
	s11 =	ssub.s32 s6, s11  }
0xc: {  	s9 =	sshrl.u32 s31, $0x2;
	s7 =	sshrl.u32 s7, $0x3;
	s10 =	sadd.s32 s10, s5  }
0xd: {  	s8 =	sshrl.u32 s8, $0x3;
	s13 =	sadd.s32 s9, s3;
	s9 =	smax.u32 s11, $0x1  }
0xe: {  	s11 =	simm.s32 $0x2800;
	s7 =	sadd.s32 s7, s5;
	s8 =	sadd.s32 s8, s5  }
0xf: {  	s13 =	sshrl.u32 s13, $0x3;
	s5 =	sadd.s32 $0x82600, s7;
	s6 =	sadd.s32 $0x1E00, s7  }
0x10: {  	s7 =	sadd.s32 $0xBE00, s10;
	s8 =	sadd.s32 $0x8C600, s8;
	s10 =	simm.s32 $0x2  }
.LBB2_1:
0x11: {  	[tilespmem:s4], [sflag:$0x2] =	stream.linear.gather [hbm4b:s5+s4], $0x2780, $0x38;
	[tilespmem:$0x1CC00] =	vst v63  }
0x12: {  	_ =	swait.ge [sflag:s10], $0x2780  }
0x13: {  	[sflag:s10] =	ssyncset.done $0x0  }
0x14: {  	[sflag:s10] =	ssyncadd.s32 $0xFFFFD880  }
0x15: {  	[tilespmem:s11], [sflag:$0x2] =	stream.linear.gather [hbm4b:s6+s4], $0x2780, $0x38;
	[tilespmem:$0x1CC00] =	vst v63  }
0x16: {  	_ =	swait.ge [sflag:s10], $0x2780  }
0x17: {  	[sflag:s10] =	ssyncset.done $0x0  }
0x18: {  	[sflag:s10] =	ssyncadd.s32 $0xFFFFD880  }
0x19: {  	[spmem:s13], [sflag:s12] =	dma.local [hbm:s7], $0x2780  }
0x1a: {  	_ =	swait.ge [sflag:s10], $0x2780  }
0x1b: {  	[sflag:s10] =	ssyncset.done $0x0  }
0x1c: {  	[sflag:s10] =	ssyncadd.s32 $0xFFFFD880  }
0x1d: {  	s18 =	simm.s32 $0x0;
	[bflag:$0x0] =	sbarrier.arrive $0xFFFF  }
0x1e: {  	[tilespmem:s15], [sflag:$0x1] =	stream.indirect.gather [hbm4b:s1+s14], $0x80, s18, s14, $0xb8;
	[tilespmem:$0x1CC00] =	vst v63  }
0x1f: {  	_ =	swait.ge [sflag:s16], $0x4000  }
0x20: {  	[sflag:s16] =	ssyncset.done $0x0  }
0x21: {  	s31 =	simm.s32 $0x2800;
	[sflag:s16] =	ssyncadd.s32 $0xFFFFC000  }
0x22: {  	[spmem:s3] =	stream.indirect.scatter.add.f32 [tilespmem:s15], [sflag:$0x2], $0x80, s31, s14, $0xb8;
	[tilespmem:$0x1CC00] =	vst v63  }
0x23: {  	_ =	swait.ge [sflag:s10], $0x4000  }
0x24: {  	s19 =	simm.s32 $0x400;
	s18 =	simm.s32 $0x200;
	[sflag:s10] =	ssyncset.done $0x0  }
.LBB2_2:
0x25: {  	s20 =	sshra.s32 s18, $0x2  }
0x26: {  	[sflag:s10] =	ssyncadd.s32 $0xFFFFC000;
	s18 =	smov.u32 s19;
	s21 =	sadd.s32 $0x200, s19  }
0x27: {  	[tilespmem:s15], [sflag:$0x1] =	stream.indirect.gather [hbm4b:s1+s14], $0x80, s20, s14, $0xb8;
	[tilespmem:$0x1CC00] =	vst v63  }
0x28: {  	p0 =	sne.s32 s19, $0x9C00;
	_ =	swait.ge [sflag:s16], $0x4000  }
.Ltmp0:
0x29: {  	[sflag:s16] =	ssyncset.done $0x0;
	(pc) =	sbr.rel @p0 .LBB2_2-.Ltmp0, $4  }
0x2a: {  	s19 =	sadd.s32 $0x2800, s20;
	[sflag:s16] =	ssyncadd.s32 $0xFFFFC000  }
0x2b: {  	[spmem:s3] =	stream.indirect.scatter.add.f32 [tilespmem:s15], [sflag:$0x2], $0x80, s19, s14, $0xb8;
	[tilespmem:$0x1CC00] =	vst v63  }
0x2c: {  	_ =	swait.ge [sflag:s10], $0x4000  }
0x2d: {  	s19 =	smov.u32 s21;
	[sflag:s10] =	ssyncset.done $0x0  }
0x2e: {  	s18 =	sshra.s32 s18, $0x2;
	[sflag:s10] =	ssyncadd.s32 $0xFFFFC000  }
0x2f: {  	[tilespmem:s15], [sflag:$0x1] =	stream.indirect.gather [hbm4b:s1+s14], $0x80, s18, s14, $0xb8;
	[tilespmem:$0x1CC00] =	vst v63  }
0x30: {  	_ =	swait.ge [sflag:s16], $0x4000  }
0x31: {  	[sflag:s16] =	ssyncset.done $0x0  }
0x32: {  	s18 =	sadd.s32 $0x2800, s18;
	[sflag:s16] =	ssyncadd.s32 $0xFFFFC000  }
0x33: {  	[spmem:s3] =	stream.indirect.scatter.add.f32 [tilespmem:s15], [sflag:$0x2], $0x80, s18, s14, $0xb8;
	[tilespmem:$0x1CC00] =	vst v63  }
0x34: {  	_ =	swait.ge [sflag:s10], $0x4000  }
0x35: {  	s17 =	sadd.s32 $0x1, s17;
	[sflag:s10] =	ssyncset.done $0x0  }
0x36: {  	p0 =	sne.s32 s17, s9;
	[sflag:s10] =	ssyncadd.s32 $0xFFFFC000  }
.Ltmp1:
0x37: {  	[bflag:$0x0] =	sbarrier.arrive $0xFFFF;
	(pc) =	sbr.rel @p0 .LBB2_1-.Ltmp1, $4  }
0x38: {  	[hbm:s8], [sflag:s12] =	dma.local [spmem:s13], $0x2780  }
0x39: {  	_ =	swait.ge [sflag:s10], $0x2780  }
0x3a: {  	[sflag:s10] =	ssyncset.done $0x0  }
0x3b: {  	[sflag:s10] =	ssyncadd.s32 $0xFFFFD880  }
0x3c: {  	_ =	sfence.sel $0x180000  }
0x3d: {  	[bflag:$0x0] =	sbarrier.arrive $0xFFFF  }
0x3e: {  	p0 =	sne.s32 s0, $0x0;
	_ =	strace $0x9000004A  }
0x3f: {  	s0 =	sadd.s32 @!p0 $0x100000, s2;
	[bflag:$0x2] =	sbarrier.arrive $0xFFFF  }
0x40: {  	[sflag:s0] =	ssyncadd.tile.s32 @!p0 $0x1;
	_ =	shalt  }
.Lfunc_end2:
_tile_overlayer_lowered:
.L_overlay_start_2:
0x41: {  	(tag) =	ssettag $0x2  }
0x42: {  	s0 =	rddreg [dreg:$0x0];
	s2 =	stileid.u32  }
0x43: {  	s1 =	rddreg [dreg:$0x1];
	p0 =	sne.s32 s2, $0x0  }
0x44: {  	s3 =	rddreg [dreg:$0x2];
	[bflag:$0x3] =	sbarrier.arrive $0xFFFF;
	s2 =	simm.s32 @!p0 $0x1C02  }
0x45: {  	[timem:s3], [sflag:s2] =	dma.local @!p0 [hbm:s0], s1  }
0x46: {  	s0 =	simm.s32 @!p0 $0x2  }
0x47: {  	_ =	swait.ge @!p0 [sflag:s0], s1  }
0x48: {  	s1 =	ssub.s32 @!p0 $0x0, s1;
	[sflag:s0] =	ssyncset.done @!p0 $0x0  }
0x49: {  	[sflag:s0] =	ssyncadd.s32 @!p0 s1  }
0x4a: {  	[bflag:$0x3] =	sbarrier.arrive $0xFFFF  }
0x4b: {  	_ =	shalt  }

// kernel: kernel.14.cloned.1.call-start
scs
__scs_entry_jumppad:
0x0: {  	(pc) =	sbr.rel $0x88, $3  }
0x1: {  	(tag) =	ssettag $0x0;
	lr =	simm.s32 $0x1  }
0x2: {  	[smem:$0x3F9B] =	sst lr;
	_ =	strace $0xD0000000  }
0x3: {  	_ = 	snop  }
0x4: {  	_ = 	snop  }
0x5: {  	_ = 	snop  }
0x6: {  	_ = 	snop  }
0x7: {  	_ = 	snop  }
__scs_overlays_trampoline_lowered:
0x8: {  	[smem:$0x3FAA] =	sst s0  }
0x9: {  	[smem:$0x3FAB] =	sst s1  }
0xa: {  	[smem:$0x3FAC] =	sst s2  }
0xb: {  	[smem:$0x3FAD] =	sst s3  }
0xc: {  	[smem:$0x3FAE] =	sst s4  }
0xd: {  	[smem:$0x3FAF] =	sst s5  }
0xe: {  	[smem:$0x3FB0] =	sst s6  }
0xf: {  	[smem:$0x3FB1] =	sst s7  }
0x10: {  	[smem:$0x3FB2] =	sst s8  }
0x11: {  	[smem:$0x3FB3] =	sst s9;
	s0 =	simm.s32 @!p0 $0x0  }
0x12: {  	s1 =	sld [smem:$0x3F99];
	s0 =	simm.s32 @p0 $0x1  }
0x13: {  	[smem:$0x3FB4] =	sst s0;
	s0 =	simm.s32 @!p1 $0x0  }
0x14: {  	s2 =	sld [smem:$0x3F98];
	s0 =	simm.s32 @p1 $0x1  }
0x15: {  	[smem:$0x3FB5] =	sst s0;
	s0 =	simm.s32 @!p2 $0x0  }
0x16: {  	s3 =	sld [smem:$0x3FDB];
	s0 =	simm.s32 @p2 $0x1  }
0x17: {  	s4 =	simm.s32 $0x1BF5;
	[smem:$0x3FB7] =	sst s0  }
0x18: {  	s0 =	sld [smem:$0x3F9A];
	_ =	swait.ge [sflag:s4], $0x0  }
0x19: {  	s7 =	sld [smem:$0x3F9B]  }
0x1a: {  	s8 =	sadd.s32 $0xFFFFE003, lr  }
0x1b: {  	s9 =	sadd.s32 $0xFFFFFEF7, lr;
	s5 =	simm.s32 $0xFFFFFFFF;
	p2 =	slt.u32 s8, $0xFFFFF086  }
0x1c: {  	p1 =	slt.u32 s9, $0xF7A;
	s5 =	simm.s32 @!p2 $0x0  }
0x1d: {  	s5 =	simm.s32 @p1 $0x1;
	p0 =	seq.s32 s7, s2  }
0x1e: {  	s7 =	smul.u32 @!p0 $0xF7A, s2;
	p2 =	seq.s32 @!p0 s5, $0x0  }
0x1f: {  	s9 =	smul.u32 $0xF7A, s1;
	s8 =	simm.s32 @!p0 $0x1BF5;
	p2 =	por !p2, p0  }
0x20: {  	[sflag:s8] =	ssyncset.s32 @!p0 $0xFFFFF086;
	s6 =	sadd.s32 @!p0 s3, s7;
	s7 =	simm.s32 @!p0 $0x108  }
0x21: {  	s3 =	sadd.s32 s3, s9;
	s6 =	sadd.s32 @!p0 $0x88, s6;
	s7 =	simm.s32 @p2 $0x1082  }
0x22: {  	[simem:s7], [sflag:s8] =	dma.local @!p0 [hbm:s6], $0xF7A  }
0x23: {  	s9 =	sor.u32 $0xD0000000, s2;
	s6 =	simm.s32 $0x108;
	_ =	swait.ge @!p0 [sflag:s8], $0x0  }
0x24: {  	s3 =	sadd.s32 $0x88, s3;
	s6 =	simm.s32 @!p1 $0x1082;
	[sflag:s4] =	ssyncset.s32 $0xFFFFF086  }
0x25: {  	[simem:s6], [sflag:s4] =	dma.local [hbm:s3], $0xF7A  }
0x26: {  	[smem:$0x3F9B] =	sst s1;
	(tag) =	ssettag s2;
	_ =	strace s9  }
0x27: {  	s1 =	sld [smem:$0x3FAB]  }
0x28: {  	s2 =	sld [smem:$0x3FAC]  }
0x29: {  	s4 =	sld [smem:$0x3FAE]  }
0x2a: {  	p0 =	seq.s32 s5, $0x0;
	s5 =	sld [smem:$0x3FAF]  }
0x2b: {  	s6 =	sld [smem:$0x3FB0]  }
0x2c: {  	s7 =	sld [smem:$0x3FB1]  }
0x2d: {  	s3 =	simm.s32 $0x108;
	s8 =	sld [smem:$0x3FB2]  }
0x2e: {  	s3 =	simm.s32 @!p0 $0x1082;
	s9 =	sld [smem:$0x3FB3]  }
0x2f: {  	lr =	sadd.s32 s0, s3;
	s0 =	sld [smem:$0x3FAA]  }
0x30: {  	s3 =	sld [smem:$0x3FAD]  }
0x31: {  	[smem:$0x3FB6] =	sst s10  }
0x32: {  	s10 =	sld [smem:$0x3FB4];
	_ =	sdelay $0x3  }
0x33: {  	p0 =	seq.s32 s10, $0x1;
	s10 =	sld [smem:$0x3FB6];
	_ =	sdelay $0x3  }
0x34: {  	[smem:$0x3FB6] =	sst s10  }
0x35: {  	s10 =	sld [smem:$0x3FB5];
	_ =	sdelay $0x3  }
0x36: {  	p1 =	seq.s32 s10, $0x1;
	s10 =	sld [smem:$0x3FB6];
	_ =	sdelay $0x3  }
0x37: {  	[smem:$0x3FB6] =	sst s10  }
0x38: {  	s10 =	sld [smem:$0x3FB7]  }
0x39: {  	_ = 	snop;
	(pc) =	sbr.ind lr, $3  }
0x3a: {  	_ = 	snop  }
0x3b: {  	_ = 	snop  }
0x3c: {  	p2 =	seq.s32 s10, $0x1;
	s10 =	sld [smem:$0x3FB6]  }
0x3d: {  	_ =	shalt  }
0x3e: {  	_ =	shalt  }
0x3f: {  	_ =	shalt  }
0x40: {  	_ =	shalt  }
0x41: {  	_ =	shalt  }
0x42: {  	_ =	shalt  }
0x43: {  	_ =	shalt  }
0x44: {  	_ =	shalt  }
0x45: {  	_ =	shalt  }
0x46: {  	_ =	shalt  }
0x47: {  	_ =	shalt  }
0x48: {  	_ =	shalt  }
0x49: {  	_ =	shalt  }
0x4a: {  	_ =	shalt  }
0x4b: {  	_ =	shalt  }
0x4c: {  	_ =	shalt  }
0x4d: {  	_ =	shalt  }
0x4e: {  	_ =	shalt  }
0x4f: {  	_ =	shalt  }
0x50: {  	_ =	shalt  }
0x51: {  	_ =	shalt  }
0x52: {  	_ =	shalt  }
0x53: {  	_ =	shalt  }
0x54: {  	_ =	shalt  }
0x55: {  	_ =	shalt  }
0x56: {  	_ =	shalt  }
0x57: {  	_ =	shalt  }
0x58: {  	_ =	shalt  }
0x59: {  	_ =	shalt  }
0x5a: {  	_ =	shalt  }
0x5b: {  	_ =	shalt  }
0x5c: {  	_ =	shalt  }
0x5d: {  	_ =	shalt  }
0x5e: {  	_ =	shalt  }
0x5f: {  	_ =	shalt  }
0x60: {  	_ =	shalt  }
0x61: {  	_ =	shalt  }
0x62: {  	_ =	shalt  }
0x63: {  	_ =	shalt  }
0x64: {  	_ =	shalt  }
0x65: {  	_ =	shalt  }
0x66: {  	_ =	shalt  }
0x67: {  	_ =	shalt  }
0x68: {  	_ =	shalt  }
0x69: {  	_ =	shalt  }
0x6a: {  	_ =	shalt  }
0x6b: {  	_ =	shalt  }
0x6c: {  	_ =	shalt  }
0x6d: {  	_ =	shalt  }
0x6e: {  	_ =	shalt  }
0x6f: {  	_ =	shalt  }
0x70: {  	_ =	shalt  }
0x71: {  	_ =	shalt  }
0x72: {  	_ =	shalt  }
0x73: {  	_ =	shalt  }
0x74: {  	_ =	shalt  }
0x75: {  	_ =	shalt  }
0x76: {  	_ =	shalt  }
0x77: {  	_ =	shalt  }
0x78: {  	_ =	shalt  }
0x79: {  	_ =	shalt  }
0x7a: {  	_ =	shalt  }
0x7b: {  	_ =	shalt  }
0x7c: {  	_ =	shalt  }
0x7d: {  	_ =	shalt  }
0x7e: {  	_ =	shalt  }
0x7f: {  	_ =	shalt  }
0x80: {  	_ =	shalt  }
0x81: {  	_ =	shalt  }
0x82: {  	_ =	shalt  }
0x83: {  	_ =	shalt  }
0x84: {  	_ =	shalt  }
0x85: {  	_ =	shalt  }
0x86: {  	_ =	shalt  }
0x87: {  	_ =	shalt  }
.Lfunc_end0:
.L_simem_size_0:
called_computation.2_lowered:
.L_overlay_start_0:
0x88: {  	s2 =	sld [smem:$0x3FD9]  }
0x89: {  	s3 =	sld [smem:$0x3FFE];
	_ =	sdelay $0x1  }
0x8a: {  	s1 =	srdreg.scid  }
0x8b: {  	s0 =	sand.u32 $0x1, s1  }
0x8c: {  	s17 =	sshll.u32 s0, $0xA;
	s2 =	sadd.s32 s3, s2  }
0x8d: {  	s2 =	sadd.s32 s2, s17  }
0x8e: {  	[smem:$0x3FC2] =	sst s2  }
0x8f: {  	_ = 	snop  }
0x90: {  	s2 =	sld [smem:$0x3FD0];
	(tm) =	ssettm $0x1  }
0x91: {  	s18 =	sld [smem:$0x3FFB];
	_ =	sdelay $0x3  }
0x92: {  	_ =	strace s18  }
0x93: {  	s3 =	sld [smem:$0x3FFC];
	_ =	sdelay $0x3  }
0x94: {  	_ =	strace s3  }
0x95: {  	s3 =	sld [smem:$0x3FFD];
	_ =	sdelay $0x3  }
0x96: {  	_ =	strace s3  }
0x97: {  	_ =	strace $0x8FFFFFFF  }
0x98: {  	s19 =	sld [smem:$0x3FDB];
	_ =	sdelay $0x1  }
0x99: {  	s4 =	simm.s32 $_scs_section_size  }
0x9a: {  	s5 =	simm.s32 $_size__tile_overlayer_lowered;
	s6 =	simm.s32 $_tile_overlayer_lowered  }
0x9b: {  	s22 =	simm.s32 $0x1BFF;
	s21 =	sshll.u32 s6, $0x1;
	s3 =	sadd.s32 s4, s19  }
0x9c: {  	s7 =	simm.s32 $0x0;
	s20 =	sshll.u32 s5, $0x1;
	s5 =	sadd.s32 s21, s3  }
0x9d: {  	[timem:s7], [sflag:s22] =	dma.local [hbm:s5], s20  }
0x9e: {  	_ =	swait.ge [sflag:s22], s20  }
0x9f: {  	s4 =	ssub.s32 $0x0, s20;
	[sflag:s22] =	ssyncset.done $0x0  }
0xa0: {  	[sflag:s22] =	ssyncadd.s32 s4;
	_ =	sdelay $0x1  }
0xa1: {  	s23 =	simm.s32 $0x1B8B  }
0xa2: {  	_ =	swait.ge [sflag:s23], $0x1  }
0xa3: {  	[sflag:s23] =	ssyncset.done $0x0  }
0xa4: {  	s25 =	simm.s32 $0x1B8E;
	s24 =	sld [smem:$0x3FFE];
	[sflag:s23] =	ssyncadd.s32 $0xFFFFFFFF  }
0xa5: {  	s26 =	simm.s32 $execute0_lowered;
	[smem:$0x3FD2] =	sst s25  }
0xa6: {  	s5 =	sshll.u32 s26, $0x1;
	_ =	strace $0x8000004C;
	[dreg:$0x1] =	wrdreg $0xFFFFFFFF  }
0xa7: {  	s28 =	simm.s32 $_size_execute0_lowered;
	s3 =	sadd.s32 s3, s5;
	[dreg:$0x0] =	wrdreg $0x0  }
0xa8: {  	s5 =	sshll.u32 s28, $0x1;
	[dreg:$0x2] =	wrdreg s3  }
0xa9: {  	[dreg:$0x3] =	wrdreg s5  }
0xaa: {  	[dreg:$0x4] =	wrdreg $0xC0  }
0xab: {  	_ =	task [dreg:s7], $0x5FFFF  }
0xac: {  	[dreg:$0x1] =	wrdreg $0xFFFFFFFF  }
0xad: {  	[dreg:$0x0] =	wrdreg $0x60  }
0xae: {  	[dreg:$0x2] =	wrdreg s2  }
0xaf: {  	[dreg:$0x3] =	wrdreg s24  }
0xb0: {  	[dreg:$0x4] =	wrdreg $0x90000  }
0xb1: {  	[dreg:$0x5] =	wrdreg $0x9  }
0xb2: {  	_ =	task.clear_ibuf [dreg:s7], $0x6FFFF;
	_ =	strace $0x9000004C  }
0xb3: {  	s29 =	simm.s32 $0x9;
	_ =	strace $0x8000004E  }
0xb4: {  	_ =	swait.ge [sflag:s29], $0x1  }
0xb5: {  	[sflag:s29] =	ssyncadd.s32 $0xFFFFFFFF  }
0xb6: {  	_ =	strace $0x9000004E  }
0xb7: {  	_ =	sfence  }
0xb8: {  	s30 =	sld [smem:$0x0];
	_ =	sdelay $0x2  }
0xb9: {  	s31 =	sshll.u32 s1, $0xD;
	s1 =	sshrl.u32 s1, $0x2  }
0xba: {  	s3 =	sand.u32 $0x4000, s31;
	s1 =	sadd.s32 s1, s30  }
0xbb: {  	s0 =	sor.u32 s3, s0;
	s1 =	sshll.u32 s1, $0x11  }
0xbc: {  	s0 =	sor.u32 s1, s0  }
0xbd: {  	s0 =	sadd.s32 $0x8F2B, s0  }
0xbe: {  	[sflag:s0] =	ssyncadd.remote.s32 $0x1  }
0xbf: {  	_ =	sfence.sel $0xFFFF  }
0xc0: {  	[dreg:$0x0] =	wrdreg $0xFFFFFFFF;
	(pc) =	sbr.abs _section_cstart, $3  }
0xc1: {  	[dreg:$0x1] =	wrdreg $0xFFFFFFFF  }
0xc2: {  	_ =	task.clear_ibuf [dreg:s7], $0x2FFFF;
	_ =	strace $0x9FFFFFFF  }
0xc3: {  	(tm) =	ssettm $0x7FFFFFFF  }
tec
execute0_lowered:
.L_overlay_start_1:
0x0: {  	(tag) =	ssettag $0x1  }
0x1: {  	s1 =	rddreg [dreg:$0x0]  }
0x2: {  	s5 =	rddreg [dreg:$0x1]  }
0x3: {  	s0 =	srdreg.scid;
	s3 =	rddreg [dreg:$0x2]  }
0x4: {  	s2 =	rddreg [dreg:$0x3];
	s6 =	sand.u32 $0x1, s0  }
0x5: {  	s4 =	simm.s32 $0x0;
	s0 =	stileid.u32;
	s7 =	smul.u32 $0x28000, s6  }
0x6: {  	s14 =	simm.s32 $0x80;
	s15 =	simm.s32 $0x5000;
	s8 =	smul.u32 $0x2800, s0  }
0x7: {  	s16 =	simm.s32 $0x1;
	[smem:$0x7FF] =	sst s4;
	s30 =	smul.u32 $0x13C00, s0  }
0x8: {  	s17 =	simm.s32 $0x0;
	s9 =	smul.u32 $0x13C000, s6;
	_ =	strace $0x8000004D  }
0x9: {  	s6 =	ssub.s32 $0x2, s6;
	s31 =	smul.u32 $0x4F000, s0;
	s12 =	sshll.u32 s0, $0x6  }
0xa: {  	s11 =	sshrl.u32 s6, $0x1;
	s12 =	sor.u32 $0x1C02, s12;
	s7 =	sadd.s32 s8, s7  }
0xb: {  	s10 =	sshrl.u32 s30, $0x3;
	s8 =	sadd.s32 s30, s9;
	s11 =	ssub.s32 s6, s11  }
0xc: {  	s9 =	sshrl.u32 s31, $0x2;
	s7 =	sshrl.u32 s7, $0x3;
	s10 =	sadd.s32 s10, s5  }
0xd: {  	s8 =	sshrl.u32 s8, $0x3;
	s13 =	sadd.s32 s9, s3;
	s9 =	smax.u32 s11, $0x1  }
0xe: {  	s11 =	simm.s32 $0x2800;
	s7 =	sadd.s32 s7, s5;
	s8 =	sadd.s32 s8, s5  }
0xf: {  	s13 =	sshrl.u32 s13, $0x3;
	s5 =	sadd.s32 $0x82600, s7;
	s6 =	sadd.s32 $0x1E00, s7  }
0x10: {  	s7 =	sadd.s32 $0xBE00, s10;
	s8 =	sadd.s32 $0x8C600, s8;
	s10 =	simm.s32 $0x2  }
.LBB2_1:
0x11: {  	[tilespmem:s4], [sflag:$0x2] =	stream.linear.gather [hbm4b:s5+s4], $0x2780, $0x38;
	[tilespmem:$0x1CC00] =	vst v63  }
0x12: {  	_ =	swait.ge [sflag:s10], $0x2780  }
0x13: {  	[sflag:s10] =	ssyncset.done $0x0  }
0x14: {  	[sflag:s10] =	ssyncadd.s32 $0xFFFFD880  }
0x15: {  	[tilespmem:s11], [sflag:$0x2] =	stream.linear.gather [hbm4b:s6+s4], $0x2780, $0x38;
	[tilespmem:$0x1CC00] =	vst v63  }
0x16: {  	_ =	swait.ge [sflag:s10], $0x2780  }
0x17: {  	[sflag:s10] =	ssyncset.done $0x0  }
0x18: {  	[sflag:s10] =	ssyncadd.s32 $0xFFFFD880  }
0x19: {  	[spmem:s13], [sflag:s12] =	dma.local [hbm:s7], $0x2780  }
0x1a: {  	_ =	swait.ge [sflag:s10], $0x2780  }
0x1b: {  	[sflag:s10] =	ssyncset.done $0x0  }
0x1c: {  	[sflag:s10] =	ssyncadd.s32 $0xFFFFD880  }
0x1d: {  	s18 =	simm.s32 $0x0;
	[bflag:$0x0] =	sbarrier.arrive $0xFFFF  }
0x1e: {  	[tilespmem:s15], [sflag:$0x1] =	stream.indirect.gather [hbm4b:s1+s14], $0x80, s18, s14, $0xb8;
	[tilespmem:$0x1CC00] =	vst v63  }
0x1f: {  	_ =	swait.ge [sflag:s16], $0x4000  }
0x20: {  	[sflag:s16] =	ssyncset.done $0x0  }
0x21: {  	s31 =	simm.s32 $0x2800;
	[sflag:s16] =	ssyncadd.s32 $0xFFFFC000  }
0x22: {  	[spmem:s3] =	stream.indirect.scatter.add.f32 [tilespmem:s15], [sflag:$0x2], $0x80, s31, s14, $0xb8;
	[tilespmem:$0x1CC00] =	vst v63  }
0x23: {  	_ =	swait.ge [sflag:s10], $0x4000  }
0x24: {  	s19 =	simm.s32 $0x400;
	s18 =	simm.s32 $0x200;
	[sflag:s10] =	ssyncset.done $0x0  }
.LBB2_2:
0x25: {  	s20 =	sshra.s32 s18, $0x2  }
0x26: {  	[sflag:s10] =	ssyncadd.s32 $0xFFFFC000;
	s18 =	smov.u32 s19;
	s21 =	sadd.s32 $0x200, s19  }
0x27: {  	[tilespmem:s15], [sflag:$0x1] =	stream.indirect.gather [hbm4b:s1+s14], $0x80, s20, s14, $0xb8;
	[tilespmem:$0x1CC00] =	vst v63  }
0x28: {  	p0 =	sne.s32 s19, $0x9C00;
	_ =	swait.ge [sflag:s16], $0x4000  }
.Ltmp0:
0x29: {  	[sflag:s16] =	ssyncset.done $0x0;
	(pc) =	sbr.rel @p0 .LBB2_2-.Ltmp0, $4  }
0x2a: {  	s19 =	sadd.s32 $0x2800, s20;
	[sflag:s16] =	ssyncadd.s32 $0xFFFFC000  }
0x2b: {  	[spmem:s3] =	stream.indirect.scatter.add.f32 [tilespmem:s15], [sflag:$0x2], $0x80, s19, s14, $0xb8;
	[tilespmem:$0x1CC00] =	vst v63  }
0x2c: {  	_ =	swait.ge [sflag:s10], $0x4000  }
0x2d: {  	s19 =	smov.u32 s21;
	[sflag:s10] =	ssyncset.done $0x0  }
0x2e: {  	s18 =	sshra.s32 s18, $0x2;
	[sflag:s10] =	ssyncadd.s32 $0xFFFFC000  }
0x2f: {  	[tilespmem:s15], [sflag:$0x1] =	stream.indirect.gather [hbm4b:s1+s14], $0x80, s18, s14, $0xb8;
	[tilespmem:$0x1CC00] =	vst v63  }
0x30: {  	_ =	swait.ge [sflag:s16], $0x4000  }
0x31: {  	[sflag:s16] =	ssyncset.done $0x0  }
0x32: {  	s18 =	sadd.s32 $0x2800, s18;
	[sflag:s16] =	ssyncadd.s32 $0xFFFFC000  }
0x33: {  	[spmem:s3] =	stream.indirect.scatter.add.f32 [tilespmem:s15], [sflag:$0x2], $0x80, s18, s14, $0xb8;
	[tilespmem:$0x1CC00] =	vst v63  }
0x34: {  	_ =	swait.ge [sflag:s10], $0x4000  }
0x35: {  	s17 =	sadd.s32 $0x1, s17;
	[sflag:s10] =	ssyncset.done $0x0  }
0x36: {  	p0 =	sne.s32 s17, s9;
	[sflag:s10] =	ssyncadd.s32 $0xFFFFC000  }
.Ltmp1:
0x37: {  	[bflag:$0x0] =	sbarrier.arrive $0xFFFF;
	(pc) =	sbr.rel @p0 .LBB2_1-.Ltmp1, $4  }
0x38: {  	[hbm:s8], [sflag:s12] =	dma.local [spmem:s13], $0x2780  }
0x39: {  	_ =	swait.ge [sflag:s10], $0x2780  }
0x3a: {  	[sflag:s10] =	ssyncset.done $0x0  }
0x3b: {  	[sflag:s10] =	ssyncadd.s32 $0xFFFFD880  }
0x3c: {  	_ =	sfence.sel $0x180000  }
0x3d: {  	[bflag:$0x0] =	sbarrier.arrive $0xFFFF  }
0x3e: {  	p0 =	sne.s32 s0, $0x0;
	_ =	strace $0x9000004D  }
0x3f: {  	s0 =	sadd.s32 @!p0 $0x100000, s2;
	[bflag:$0x2] =	sbarrier.arrive $0xFFFF  }
0x40: {  	[sflag:s0] =	ssyncadd.tile.s32 @!p0 $0x1;
	_ =	shalt  }
.Lfunc_end2:
_tile_overlayer_lowered:
.L_overlay_start_2:
0x41: {  	(tag) =	ssettag $0x2  }
0x42: {  	s0 =	rddreg [dreg:$0x0];
	s2 =	stileid.u32  }
0x43: {  	s1 =	rddreg [dreg:$0x1];
	p0 =	sne.s32 s2, $0x0  }
0x44: {  	s3 =	rddreg [dreg:$0x2];
	[bflag:$0x3] =	sbarrier.arrive $0xFFFF;
	s2 =	simm.s32 @!p0 $0x1C02  }
0x45: {  	[timem:s3], [sflag:s2] =	dma.local @!p0 [hbm:s0], s1  }
0x46: {  	s0 =	simm.s32 @!p0 $0x2  }
0x47: {  	_ =	swait.ge @!p0 [sflag:s0], s1  }
0x48: {  	s1 =	ssub.s32 @!p0 $0x0, s1;
	[sflag:s0] =	ssyncset.done @!p0 $0x0  }
0x49: {  	[sflag:s0] =	ssyncadd.s32 @!p0 s1  }
0x4a: {  	[bflag:$0x3] =	sbarrier.arrive $0xFFFF  }
0x4b: {  	_ =	shalt  }

// kernel: kernel.8.cloned.1.call-start
scs
__scs_entry_jumppad:
0x0: {  	(pc) =	sbr.rel $0x88, $3  }
0x1: {  	(tag) =	ssettag $0x0;
	lr =	simm.s32 $0x1  }
0x2: {  	[smem:$0x3F9B] =	sst lr;
	_ =	strace $0xD0000000  }
0x3: {  	_ = 	snop  }
0x4: {  	_ = 	snop  }
0x5: {  	_ = 	snop  }
0x6: {  	_ = 	snop  }
0x7: {  	_ = 	snop  }
__scs_overlays_trampoline_lowered:
0x8: {  	[smem:$0x3FAA] =	sst s0  }
0x9: {  	[smem:$0x3FAB] =	sst s1  }
0xa: {  	[smem:$0x3FAC] =	sst s2  }
0xb: {  	[smem:$0x3FAD] =	sst s3  }
0xc: {  	[smem:$0x3FAE] =	sst s4  }
0xd: {  	[smem:$0x3FAF] =	sst s5  }
0xe: {  	[smem:$0x3FB0] =	sst s6  }
0xf: {  	[smem:$0x3FB1] =	sst s7  }
0x10: {  	[smem:$0x3FB2] =	sst s8  }
0x11: {  	[smem:$0x3FB3] =	sst s9;
	s0 =	simm.s32 @!p0 $0x0  }
0x12: {  	s1 =	sld [smem:$0x3F99];
	s0 =	simm.s32 @p0 $0x1  }
0x13: {  	[smem:$0x3FB4] =	sst s0;
	s0 =	simm.s32 @!p1 $0x0  }
0x14: {  	s2 =	sld [smem:$0x3F98];
	s0 =	simm.s32 @p1 $0x1  }
0x15: {  	[smem:$0x3FB5] =	sst s0;
	s0 =	simm.s32 @!p2 $0x0  }
0x16: {  	s3 =	sld [smem:$0x3FDB];
	s0 =	simm.s32 @p2 $0x1  }
0x17: {  	s4 =	simm.s32 $0x1BF5;
	[smem:$0x3FB7] =	sst s0  }
0x18: {  	s0 =	sld [smem:$0x3F9A];
	_ =	swait.ge [sflag:s4], $0x0  }
0x19: {  	s7 =	sld [smem:$0x3F9B]  }
0x1a: {  	s8 =	sadd.s32 $0xFFFFE003, lr  }
0x1b: {  	s9 =	sadd.s32 $0xFFFFFEF7, lr;
	s5 =	simm.s32 $0xFFFFFFFF;
	p2 =	slt.u32 s8, $0xFFFFF086  }
0x1c: {  	p1 =	slt.u32 s9, $0xF7A;
	s5 =	simm.s32 @!p2 $0x0  }
0x1d: {  	s5 =	simm.s32 @p1 $0x1;
	p0 =	seq.s32 s7, s2  }
0x1e: {  	s7 =	smul.u32 @!p0 $0xF7A, s2;
	p2 =	seq.s32 @!p0 s5, $0x0  }
0x1f: {  	s9 =	smul.u32 $0xF7A, s1;
	s8 =	simm.s32 @!p0 $0x1BF5;
	p2 =	por !p2, p0  }
0x20: {  	[sflag:s8] =	ssyncset.s32 @!p0 $0xFFFFF086;
	s6 =	sadd.s32 @!p0 s3, s7;
	s7 =	simm.s32 @!p0 $0x108  }
0x21: {  	s3 =	sadd.s32 s3, s9;
	s6 =	sadd.s32 @!p0 $0x88, s6;
	s7 =	simm.s32 @p2 $0x1082  }
0x22: {  	[simem:s7], [sflag:s8] =	dma.local @!p0 [hbm:s6], $0xF7A  }
0x23: {  	s9 =	sor.u32 $0xD0000000, s2;
	s6 =	simm.s32 $0x108;
	_ =	swait.ge @!p0 [sflag:s8], $0x0  }
0x24: {  	s3 =	sadd.s32 $0x88, s3;
	s6 =	simm.s32 @!p1 $0x1082;
	[sflag:s4] =	ssyncset.s32 $0xFFFFF086  }
0x25: {  	[simem:s6], [sflag:s4] =	dma.local [hbm:s3], $0xF7A  }
0x26: {  	[smem:$0x3F9B] =	sst s1;
	(tag) =	ssettag s2;
	_ =	strace s9  }
0x27: {  	s1 =	sld [smem:$0x3FAB]  }
0x28: {  	s2 =	sld [smem:$0x3FAC]  }
0x29: {  	s4 =	sld [smem:$0x3FAE]  }
0x2a: {  	p0 =	seq.s32 s5, $0x0;
	s5 =	sld [smem:$0x3FAF]  }
0x2b: {  	s6 =	sld [smem:$0x3FB0]  }
0x2c: {  	s7 =	sld [smem:$0x3FB1]  }
0x2d: {  	s3 =	simm.s32 $0x108;
	s8 =	sld [smem:$0x3FB2]  }
0x2e: {  	s3 =	simm.s32 @!p0 $0x1082;
	s9 =	sld [smem:$0x3FB3]  }
0x2f: {  	lr =	sadd.s32 s0, s3;
	s0 =	sld [smem:$0x3FAA]  }
0x30: {  	s3 =	sld [smem:$0x3FAD]  }
0x31: {  	[smem:$0x3FB6] =	sst s10  }
0x32: {  	s10 =	sld [smem:$0x3FB4];
	_ =	sdelay $0x3  }
0x33: {  	p0 =	seq.s32 s10, $0x1;
	s10 =	sld [smem:$0x3FB6];
	_ =	sdelay $0x3  }
0x34: {  	[smem:$0x3FB6] =	sst s10  }
0x35: {  	s10 =	sld [smem:$0x3FB5];
	_ =	sdelay $0x3  }
0x36: {  	p1 =	seq.s32 s10, $0x1;
	s10 =	sld [smem:$0x3FB6];
	_ =	sdelay $0x3  }
0x37: {  	[smem:$0x3FB6] =	sst s10  }
0x38: {  	s10 =	sld [smem:$0x3FB7]  }
0x39: {  	_ = 	snop;
	(pc) =	sbr.ind lr, $3  }
0x3a: {  	_ = 	snop  }
0x3b: {  	_ = 	snop  }
0x3c: {  	p2 =	seq.s32 s10, $0x1;
	s10 =	sld [smem:$0x3FB6]  }
0x3d: {  	_ =	shalt  }
0x3e: {  	_ =	shalt  }
0x3f: {  	_ =	shalt  }
0x40: {  	_ =	shalt  }
0x41: {  	_ =	shalt  }
0x42: {  	_ =	shalt  }
0x43: {  	_ =	shalt  }
0x44: {  	_ =	shalt  }
0x45: {  	_ =	shalt  }
0x46: {  	_ =	shalt  }
0x47: {  	_ =	shalt  }
0x48: {  	_ =	shalt  }
0x49: {  	_ =	shalt  }
0x4a: {  	_ =	shalt  }
0x4b: {  	_ =	shalt  }
0x4c: {  	_ =	shalt  }
0x4d: {  	_ =	shalt  }
0x4e: {  	_ =	shalt  }
0x4f: {  	_ =	shalt  }
0x50: {  	_ =	shalt  }
0x51: {  	_ =	shalt  }
0x52: {  	_ =	shalt  }
0x53: {  	_ =	shalt  }
0x54: {  	_ =	shalt  }
0x55: {  	_ =	shalt  }
0x56: {  	_ =	shalt  }
0x57: {  	_ =	shalt  }
0x58: {  	_ =	shalt  }
0x59: {  	_ =	shalt  }
0x5a: {  	_ =	shalt  }
0x5b: {  	_ =	shalt  }
0x5c: {  	_ =	shalt  }
0x5d: {  	_ =	shalt  }
0x5e: {  	_ =	shalt  }
0x5f: {  	_ =	shalt  }
0x60: {  	_ =	shalt  }
0x61: {  	_ =	shalt  }
0x62: {  	_ =	shalt  }
0x63: {  	_ =	shalt  }
0x64: {  	_ =	shalt  }
0x65: {  	_ =	shalt  }
0x66: {  	_ =	shalt  }
0x67: {  	_ =	shalt  }
0x68: {  	_ =	shalt  }
0x69: {  	_ =	shalt  }
0x6a: {  	_ =	shalt  }
0x6b: {  	_ =	shalt  }
0x6c: {  	_ =	shalt  }
0x6d: {  	_ =	shalt  }
0x6e: {  	_ =	shalt  }
0x6f: {  	_ =	shalt  }
0x70: {  	_ =	shalt  }
0x71: {  	_ =	shalt  }
0x72: {  	_ =	shalt  }
0x73: {  	_ =	shalt  }
0x74: {  	_ =	shalt  }
0x75: {  	_ =	shalt  }
0x76: {  	_ =	shalt  }
0x77: {  	_ =	shalt  }
0x78: {  	_ =	shalt  }
0x79: {  	_ =	shalt  }
0x7a: {  	_ =	shalt  }
0x7b: {  	_ =	shalt  }
0x7c: {  	_ =	shalt  }
0x7d: {  	_ =	shalt  }
0x7e: {  	_ =	shalt  }
0x7f: {  	_ =	shalt  }
0x80: {  	_ =	shalt  }
0x81: {  	_ =	shalt  }
0x82: {  	_ =	shalt  }
0x83: {  	_ =	shalt  }
0x84: {  	_ =	shalt  }
0x85: {  	_ =	shalt  }
0x86: {  	_ =	shalt  }
0x87: {  	_ =	shalt  }
.Lfunc_end0:
.L_simem_size_0:
called_computation_lowered:
.L_overlay_start_0:
0x88: {  	s2 =	sld [smem:$0x3FD9]  }
0x89: {  	s3 =	sld [smem:$0x3FFE];
	_ =	sdelay $0x1  }
0x8a: {  	s1 =	srdreg.scid  }
0x8b: {  	s0 =	sand.u32 $0x1, s1  }
0x8c: {  	s17 =	sshll.u32 s0, $0xA;
	s2 =	sadd.s32 s3, s2  }
0x8d: {  	s2 =	sadd.s32 s2, s17  }
0x8e: {  	[smem:$0x3FC2] =	sst s2  }
0x8f: {  	_ = 	snop  }
0x90: {  	s2 =	sld [smem:$0x3FD0];
	(tm) =	ssettm $0x1  }
0x91: {  	s18 =	sld [smem:$0x3FFB];
	_ =	sdelay $0x3  }
0x92: {  	_ =	strace s18  }
0x93: {  	s3 =	sld [smem:$0x3FFC];
	_ =	sdelay $0x3  }
0x94: {  	_ =	strace s3  }
0x95: {  	s3 =	sld [smem:$0x3FFD];
	_ =	sdelay $0x3  }
0x96: {  	_ =	strace s3  }
0x97: {  	_ =	strace $0x8FFFFFFF  }
0x98: {  	s19 =	sld [smem:$0x3FDB];
	_ =	sdelay $0x1  }
0x99: {  	s4 =	simm.s32 $_scs_section_size  }
0x9a: {  	s5 =	simm.s32 $_size__tile_overlayer_lowered;
	s6 =	simm.s32 $_tile_overlayer_lowered  }
0x9b: {  	s22 =	simm.s32 $0x1BFF;
	s21 =	sshll.u32 s6, $0x1;
	s3 =	sadd.s32 s4, s19  }
0x9c: {  	s7 =	simm.s32 $0x0;
	s20 =	sshll.u32 s5, $0x1;
	s5 =	sadd.s32 s21, s3  }
0x9d: {  	[timem:s7], [sflag:s22] =	dma.local [hbm:s5], s20  }
0x9e: {  	_ =	swait.ge [sflag:s22], s20  }
0x9f: {  	s4 =	ssub.s32 $0x0, s20;
	[sflag:s22] =	ssyncset.done $0x0  }
0xa0: {  	[sflag:s22] =	ssyncadd.s32 s4;
	_ =	sdelay $0x1  }
0xa1: {  	s23 =	simm.s32 $0x1B8B  }
0xa2: {  	_ =	swait.ge [sflag:s23], $0x1  }
0xa3: {  	[sflag:s23] =	ssyncset.done $0x0  }
0xa4: {  	s25 =	simm.s32 $0x1B8E;
	s24 =	sld [smem:$0x3FFE];
	[sflag:s23] =	ssyncadd.s32 $0xFFFFFFFF  }
0xa5: {  	s26 =	simm.s32 $execute0_lowered;
	[smem:$0x3FD2] =	sst s25  }
0xa6: {  	s5 =	sshll.u32 s26, $0x1;
	_ =	strace $0x80000046;
	[dreg:$0x1] =	wrdreg $0xFFFFFFFF  }
0xa7: {  	s28 =	simm.s32 $_size_execute0_lowered;
	s3 =	sadd.s32 s3, s5;
	[dreg:$0x0] =	wrdreg $0x0  }
0xa8: {  	s5 =	sshll.u32 s28, $0x1;
	[dreg:$0x2] =	wrdreg s3  }
0xa9: {  	[dreg:$0x3] =	wrdreg s5  }
0xaa: {  	[dreg:$0x4] =	wrdreg $0xC0  }
0xab: {  	_ =	task [dreg:s7], $0x5FFFF  }
0xac: {  	[dreg:$0x1] =	wrdreg $0xFFFFFFFF  }
0xad: {  	[dreg:$0x0] =	wrdreg $0x60  }
0xae: {  	[dreg:$0x2] =	wrdreg s24  }
0xaf: {  	[dreg:$0x3] =	wrdreg s2  }
0xb0: {  	[dreg:$0x4] =	wrdreg $0x68000  }
0xb1: {  	[dreg:$0x5] =	wrdreg $0x9  }
0xb2: {  	_ =	task.clear_ibuf [dreg:s7], $0x6FFFF;
	_ =	strace $0x90000046  }
0xb3: {  	s29 =	simm.s32 $0x9;
	_ =	strace $0x80000048  }
0xb4: {  	_ =	swait.ge [sflag:s29], $0x1  }
0xb5: {  	[sflag:s29] =	ssyncadd.s32 $0xFFFFFFFF  }
0xb6: {  	_ =	strace $0x90000048  }
0xb7: {  	_ =	sfence  }
0xb8: {  	s30 =	sld [smem:$0x0];
	_ =	sdelay $0x2  }
0xb9: {  	s31 =	sshll.u32 s1, $0xD;
	s1 =	sshrl.u32 s1, $0x2  }
0xba: {  	s3 =	sand.u32 $0x4000, s31;
	s1 =	sadd.s32 s1, s30  }
0xbb: {  	s0 =	sor.u32 s3, s0;
	s1 =	sshll.u32 s1, $0x11  }
0xbc: {  	s0 =	sor.u32 s1, s0  }
0xbd: {  	s0 =	sadd.s32 $0x8F2B, s0  }
0xbe: {  	[sflag:s0] =	ssyncadd.remote.s32 $0x1  }
0xbf: {  	_ =	sfence.sel $0xFFFF  }
0xc0: {  	[dreg:$0x0] =	wrdreg $0xFFFFFFFF;
	(pc) =	sbr.abs _section_cstart, $3  }
0xc1: {  	[dreg:$0x1] =	wrdreg $0xFFFFFFFF  }
0xc2: {  	_ =	task.clear_ibuf [dreg:s7], $0x2FFFF;
	_ =	strace $0x9FFFFFFF  }
0xc3: {  	(tm) =	ssettm $0x7FFFFFFF  }
tec
execute0_lowered:
.L_overlay_start_1:
0x0: {  	(tag) =	ssettag $0x1  }
0x1: {  	s5 =	rddreg [dreg:$0x0]  }
0x2: {  	s0 =	srdreg.scid;
	s2 =	rddreg [dreg:$0x1]  }
0x3: {  	s3 =	rddreg [dreg:$0x2];
	s6 =	sand.u32 $0x1, s0  }
0x4: {  	s0 =	stileid.u32;
	s7 =	smul.u32 $0x28000, s6  }
0x5: {  	s1 =	rddreg [dreg:$0x3];
	s8 =	smul.u32 $0x2800, s0  }
0x6: {  	s4 =	simm.s32 $0x0;
	s13 =	simm.s32 $0x80;
	s28 =	smul.u32 $0x13C00, s0  }
0x7: {  	s14 =	simm.s32 $0x0;
	[smem:$0x7FF] =	sst s4;
	s9 =	smul.u32 $0x13C000, s6  }
0x8: {  	_ =	strace $0x80000047;
	s6 =	ssub.s32 $0x2, s6;
	s29 =	smul.u32 $0x4F000, s0  }
0x9: {  	s31 =	sshll.u32 s0, $0x6;
	s11 =	sshrl.u32 s6, $0x1;
	s7 =	sadd.s32 s8, s7  }
0xa: {  	s10 =	sshrl.u32 s28, $0x3;
	s8 =	sadd.s32 s28, s9;
	s11 =	ssub.s32 s6, s11  }
0xb: {  	s30 =	sshrl.u32 s29, $0x2;
	s9 =	simm.s32 $0x1;
	s7 =	sshrl.u32 s7, $0x3  }
0xc: {  	s10 =	sadd.s32 s10, s5;
	s8 =	sshrl.u32 s8, $0x3;
	s12 =	sadd.s32 s30, s3  }
0xd: {  	s7 =	sadd.s32 s7, s5;
	s8 =	sadd.s32 s8, s5;
	s6 =	sadd.s32 $0xBE00, s10  }
0xe: {  	s10 =	simm.s32 $0x2800;
	s12 =	sshrl.u32 s12, $0x3;
	s5 =	sadd.s32 $0x1E00, s7  }
0xf: {  	s7 =	sadd.s32 $0x33600, s8;
	s8 =	smax.u32 s11, $0x1;
	s11 =	sor.u32 $0x1C01, s31  }
.LBB2_1:
0x10: {  	[tilespmem:s4], [sflag:$0x1] =	stream.linear.gather [hbm4b:s5+s4], $0x2780, $0x38;
	[tilespmem:$0x1A400] =	vst v63  }
0x11: {  	_ =	swait.ge [sflag:s9], $0x2780  }
0x12: {  	[sflag:s9] =	ssyncset.done $0x0  }
0x13: {  	[sflag:s9] =	ssyncadd.s32 $0xFFFFD880  }
0x14: {  	[tilespmem:s10], [sflag:$0x1] =	stream.linear.gather [hbm4b:s2+s4], $0x4000, $0x38;
	[tilespmem:$0x1A400] =	vst v63  }
0x15: {  	_ =	swait.ge [sflag:s9], $0x4000  }
0x16: {  	[sflag:s9] =	ssyncset.done $0x0  }
0x17: {  	[sflag:s9] =	ssyncadd.s32 $0xFFFFC000  }
0x18: {  	[spmem:s12], [sflag:s11] =	dma.local [hbm:s6], $0x2780  }
0x19: {  	_ =	swait.ge [sflag:s9], $0x2780  }
0x1a: {  	[sflag:s9] =	ssyncset.done $0x0  }
0x1b: {  	[sflag:s9] =	ssyncadd.s32 $0xFFFFD880  }
0x1c: {  	s15 =	simm.s32 $0x0;
	[bflag:$0x0] =	sbarrier.arrive $0xFFFF  }
0x1d: {  	[spmem:s3] =	stream.indirect.scatter.add.f32 [tilespmem:s10], [sflag:$0x1], $0x80, s15, s13, $0xb8;
	[tilespmem:$0x1A400] =	vst v63  }
0x1e: {  	_ =	swait.ge [sflag:s9], $0x4000  }
0x1f: {  	s15 =	simm.s32 $0x200;
	[sflag:s9] =	ssyncset.done $0x0  }
.LBB2_2:
0x20: {  	s16 =	sshra.s32 s15, $0x2;
	[sflag:s9] =	ssyncadd.s32 $0xFFFFC000;
	p0 =	sne.s32 s15, $0x9C00  }
0x21: {  	[spmem:s3] =	stream.indirect.scatter.add.f32 [tilespmem:s10], [sflag:$0x1], $0x80, s16, s13, $0xb8;
	[tilespmem:$0x1A400] =	vst v63  }
.Ltmp0:
0x22: {  	_ = 	snop;
	(pc) =	sbr.rel @p0 .LBB2_2-.Ltmp0, $4  }
0x23: {  	_ = 	snop  }
0x24: {  	s15 =	sadd.s32 $0x200, s15  }
0x25: {  	_ =	swait.ge [sflag:s9], $0x4000  }
0x26: {  	[sflag:s9] =	ssyncset.done $0x0  }
0x27: {  	s14 =	sadd.s32 $0x1, s14  }
0x28: {  	[sflag:s9] =	ssyncadd.s32 $0xFFFFC000;
	p0 =	sne.s32 s14, s8  }
.Ltmp1:
0x29: {  	[bflag:$0x0] =	sbarrier.arrive $0xFFFF;
	(pc) =	sbr.rel @p0 .LBB2_1-.Ltmp1, $4  }
0x2a: {  	[hbm:s7], [sflag:s11] =	dma.local [spmem:s12], $0x2780  }
0x2b: {  	_ =	swait.ge [sflag:s9], $0x2780  }
0x2c: {  	[sflag:s9] =	ssyncset.done $0x0  }
0x2d: {  	[sflag:s9] =	ssyncadd.s32 $0xFFFFD880  }
0x2e: {  	_ =	sfence.sel $0x180000  }
0x2f: {  	[bflag:$0x0] =	sbarrier.arrive $0xFFFF  }
0x30: {  	p0 =	sne.s32 s0, $0x0;
	_ =	strace $0x90000047  }
0x31: {  	s0 =	sadd.s32 @!p0 $0x100000, s1;
	[bflag:$0x2] =	sbarrier.arrive $0xFFFF  }
0x32: {  	[sflag:s0] =	ssyncadd.tile.s32 @!p0 $0x1;
	_ =	shalt  }
.Lfunc_end2:
_tile_overlayer_lowered:
.L_overlay_start_2:
0x33: {  	(tag) =	ssettag $0x2  }
0x34: {  	s0 =	rddreg [dreg:$0x0];
	s2 =	stileid.u32  }
0x35: {  	s1 =	rddreg [dreg:$0x1];
	p0 =	sne.s32 s2, $0x0  }
0x36: {  	s3 =	rddreg [dreg:$0x2];
	[bflag:$0x3] =	sbarrier.arrive $0xFFFF;
	s2 =	simm.s32 @!p0 $0x1C01  }
0x37: {  	[timem:s3], [sflag:s2] =	dma.local @!p0 [hbm:s0], s1  }
0x38: {  	s0 =	simm.s32 @!p0 $0x1  }
0x39: {  	_ =	swait.ge @!p0 [sflag:s0], s1  }
0x3a: {  	s1 =	ssub.s32 @!p0 $0x0, s1;
	[sflag:s0] =	ssyncset.done @!p0 $0x0  }
0x3b: {  	[sflag:s0] =	ssyncadd.s32 @!p0 s1  }
0x3c: {  	[bflag:$0x3] =	sbarrier.arrive $0xFFFF  }
0x3d: {  	_ =	shalt  }

</sc_bundles>
